<compile_context>
chip_gen: v7x
topology: tpu7x:2x2x1
jax: 0.10.2.dev20260603
libtpu: 0.0.44.dev20260713+nightly
codegen_flags: <defaults>
</compile_context>

<pallas_src>
import functools

import jax
import jax.numpy as jnp
from jax import lax
from jax.experimental import pallas as pl
from jax.experimental.pallas import tpu as pltpu
from jax.experimental.pallas import tpu_sc as plsc

B, S, D = 4, 8192, 4096
NW = 32
POS_PER_W = S // NW
CH = 4
NCHUNK = POS_PER_W // CH
VECS = CH * D // 16
UNROLL = 8
TC_B = 3


def _tc_body(seq_ref, tab_ref, out_ref):
    out_ref[...] = seq_ref[...] + tab_ref[...][None, :, :]


def _tc_add(seq, pos_table):
    CHUNK = 128
    grid = (S // CHUNK,)
    return pl.pallas_call(
        _tc_body,
        grid=grid,
        in_specs=[
            pl.BlockSpec((TC_B, CHUNK, D), lambda i: (0, i, 0)),
            pl.BlockSpec((CHUNK, D), lambda i: (i, 0)),
        ],
        out_specs=pl.BlockSpec((TC_B, CHUNK, D), lambda i: (0, i, 0)),
        out_shape=jax.ShapeDtypeStruct((TC_B, S, D), seq.dtype),
        compiler_params=pltpu.CompilerParams(
            dimension_semantics=("parallel",),
        ),
    )(seq, pos_table)


def _sc_body(seq_hbm, tab_hbm, out_hbm,
             t0, t1, t2, s0b, s1b, s2b,
             mt0, mt1, mt2, ms0, ms1, ms2, mo0, mo1, mo2):
    tb = (t0, t1, t2)
    sb = (s0b, s1b, s2b)
    mt = (mt0, mt1, mt2)
    ms = (ms0, ms1, ms2)
    mo = (mo0, mo1, mo2)

    wid = lax.axis_index("s") * 2 + lax.axis_index("c")
    base = wid * POS_PER_W

    def tslice(c):
        return tab_hbm.at[pl.ds(base + c * CH, CH), :]

    def qslice(c):
        return seq_hbm.at[TC_B, pl.ds(base + c * CH, CH), :]

    def oslice(c):
        return out_hbm.at[0, pl.ds(base + c * CH, CH), :]

    def issue_in(c, j):
        pltpu.async_copy(tslice(c), tb[j], mt[j])
        pltpu.async_copy(qslice(c), sb[j], ms[j])

    issue_in(0, 0)
    issue_in(1, 1)

    def compute(j):
        def add(i, _):
            for k in range(UNROLL):
                r = i * UNROLL + k
                row = r // (D // 16)
                col = (r % (D // 16)) * 16
                sb[j][row, pl.ds(col, 16)] = (
                    sb[j][row, pl.ds(col, 16)] + tb[j][row, pl.ds(col, 16)]
                )
            return 0

        lax.fori_loop(0, VECS // UNROLL, add, 0)

    def body(g, _):
        for j in range(3):
            c = g * 3 + j
            jn = (j + 2) % 3
            nxt = c + 2

            def prefetch():
                pltpu.make_async_copy(sb[jn], oslice(nxt), mo[jn]).wait()
                issue_in(nxt, jn)

            def prefetch_first():
                issue_in(nxt, jn)

            if j == 0:
                lax.cond(g > 0,
                         lambda: pl.when(nxt < NCHUNK)(prefetch),
                         lambda: pl.when(nxt < NCHUNK)(prefetch_first))
            else:
                pl.when(nxt < NCHUNK)(prefetch)

            pltpu.make_async_copy(tslice(c), tb[j], mt[j]).wait()
            pltpu.make_async_copy(qslice(c), sb[j], ms[j]).wait()
            compute(j)
            pltpu.async_copy(sb[j], oslice(c), mo[j])
        return 0

    lax.fori_loop(0, NCHUNK // 3, body, 0)

    for c in range((NCHUNK // 3) * 3, NCHUNK):
        j = c % 3
        pltpu.make_async_copy(tslice(c), tb[j], mt[j]).wait()
        pltpu.make_async_copy(qslice(c), sb[j], ms[j]).wait()
        compute(j)
        pltpu.async_copy(sb[j], oslice(c), mo[j])
    for j in range(3):
        c = NCHUNK - 3 + j
        pltpu.make_async_copy(sb[c % 3], oslice(c), mo[c % 3]).wait()


def _sc_add(seq, tab):
    mesh = plsc.VectorSubcoreMesh(
        core_axis_name="c", subcore_axis_name="s", num_cores=2
    )
    return functools.partial(
        pl.kernel,
        mesh=mesh,
        out_type=jax.ShapeDtypeStruct((B - TC_B, S, D), jnp.float32),
        scratch_types=(
            [pltpu.VMEM((CH, D), jnp.float32)] * 6
            + [pltpu.SemaphoreType.DMA] * 9
        ),
        compiler_params=pltpu.CompilerParams(use_tc_tiling_on_sc=True),
    )(_sc_body)(seq, tab)


@jax.jit
def _pos_add(seq, tab):
    sc_out = _sc_add(seq, tab)
    tc_out = _tc_add(seq, tab)
    return jnp.concatenate([tc_out, sc_out], axis=0)


def kernel(seq, pos_table):
    s = seq.shape[1]
    return _pos_add(seq, pos_table[:s, :])

# --- scband reference (transcript-rebuilt; emitter-appended) ---
"""Pipeline reference for scband-learned-pos-embedding-10359461118033 (READ-ONLY COPY).

The authoritative reference and input builder live on the scoring server;
editing this copy changes nothing except your own understanding.
"""

import jax, jax.numpy as jnp
import numpy as np

MAX_SEQ_LEN = 8192
POS_EMBED_DIM = 4096

def setup_inputs(seed: int = 0) -> dict:
    key = jax.random.key(seed)
    k1, k2 = jax.random.split(key)
    seq = jax.random.normal(k1, (4, 8192, 4096), dtype=jnp.float32)
    # nn.Embedding default init: N(0, 1)
    pos_table = jax.random.normal(k2, (MAX_SEQ_LEN, POS_EMBED_DIM), dtype=jnp.float32)
    return {"seq": seq, "pos_table": pos_table}

def reference(seq, pos_table):
    S = seq.shape[1]
    # dropout_prob = 0.0 -> identity (eval-mode / p=0 dropout)
    out = seq + pos_table[:S, :]
    return out

if __name__ == "__main__":
    import jax
    _d = setup_inputs()
    print(jax.jit(kernel)(*tuple(_d.values())))

</pallas_src>

<mosaic_0001>
#map = affine_map<(d0, d1) -> (0, 0, 0)>
#map1 = affine_map<(d0, d1) -> (0, 0)>
module attributes {stable_mosaic.version = 14 : i64} {
  func.func @_sc_body(%arg0: i32, %arg1: i32, %arg2: memref<4x8192x4096xf32, #tpu.memory_space<hbm>>, %arg3: memref<8192x4096xf32, #tpu.memory_space<hbm>>, %arg4: memref<1x8192x4096xf32, #tpu.memory_space<hbm>>, %arg5: memref<4x4096xf32, #tpu.memory_space<vmem>>, %arg6: memref<4x4096xf32, #tpu.memory_space<vmem>>, %arg7: memref<4x4096xf32, #tpu.memory_space<vmem>>, %arg8: memref<4x4096xf32, #tpu.memory_space<vmem>>, %arg9: memref<4x4096xf32, #tpu.memory_space<vmem>>, %arg10: memref<4x4096xf32, #tpu.memory_space<vmem>>, %arg11: memref<!tpu.dma_semaphore, #tpu.memory_space<semaphore_mem>>, %arg12: memref<!tpu.dma_semaphore, #tpu.memory_space<semaphore_mem>>, %arg13: memref<!tpu.dma_semaphore, #tpu.memory_space<semaphore_mem>>, %arg14: memref<!tpu.dma_semaphore, #tpu.memory_space<semaphore_mem>>, %arg15: memref<!tpu.dma_semaphore, #tpu.memory_space<semaphore_mem>>, %arg16: memref<!tpu.dma_semaphore, #tpu.memory_space<semaphore_mem>>, %arg17: memref<!tpu.dma_semaphore, #tpu.memory_space<semaphore_mem>>, %arg18: memref<!tpu.dma_semaphore, #tpu.memory_space<semaphore_mem>>, %arg19: memref<!tpu.dma_semaphore, #tpu.memory_space<semaphore_mem>>) attributes {dimension_semantics = [#tpu.dimension_semantics<core_parallel>, #tpu.dimension_semantics<subcore_parallel>], iteration_bounds = array<i64: 2, 16>, scalar_prefetch = 0 : i64, scratch_operands = 15 : i64, tpu.core_type = #tpu.core_type<sc_vector_subcore>, window_params = [{transform_indices = #map}, {transform_indices = #map1}, {transform_indices = #map}]} {
    %mul3A = arith.constant 2 : i32
    %mul3A_0 = arith.muli %arg1, %mul3A : i32
    %add3A = arith.addi %mul3A_0, %arg0 : i32
    %mul3A_1 = arith.constant 256 : i32
    %mul3A_2 = arith.muli %add3A, %mul3A_1 : i32
    %add3A_3 = arith.constant 0 : i32
    %add3A_4 = arith.addi %mul3A_2, %add3A_3 : i32
    %dma_start3A = arith.constant 0 : i32
    %dma_start3A_5 = tpu.memref_slice %arg3[%add3A_4, %dma_start3A] : memref<8192x4096xf32, #tpu.memory_space<hbm>> -> memref<4x4096xf32, #tpu.memory_space<hbm>>
    %dma_start3A_6 = arith.constant 0 : i32
    %dma_start3A_7 = tpu.memref_slice %arg3[%add3A_4, %dma_start3A_6] : memref<8192x4096xf32, #tpu.memory_space<hbm>> -> memref<4x4096xf32, #tpu.memory_space<hbm>>
    tpu.enqueue_dma source(%dma_start3A_7 : memref<4x4096xf32, #tpu.memory_space<hbm>>) target(%arg5 : memref<4x4096xf32, #tpu.memory_space<vmem>>) target_semaphore(%arg11 : memref<!tpu.dma_semaphore, #tpu.memory_space<semaphore_mem>>)
    %add3A_8 = arith.constant 0 : i32
    %add3A_9 = arith.addi %mul3A_2, %add3A_8 : i32
    %dma_start3A_10 = arith.constant 3 : i32
    %dma_start3A_11 = arith.constant 0 : i32
    %dma_start3A_12 = tpu.memref_slice %arg2[%dma_start3A_10, %add3A_9, %dma_start3A_11] : memref<4x8192x4096xf32, #tpu.memory_space<hbm>> -> memref<1x4x4096xf32, #tpu.memory_space<hbm>>
    %dma_start3A_13 = tpu.memref_squeeze %dma_start3A_12 : memref<1x4x4096xf32, #tpu.memory_space<hbm>> -> memref<4x4096xf32, #tpu.memory_space<hbm>>
    %dma_start3A_14 = arith.constant 0 : i32
    %dma_start3A_15 = tpu.memref_slice %arg2[%dma_start3A_10, %add3A_9, %dma_start3A_14] : memref<4x8192x4096xf32, #tpu.memory_space<hbm>> -> memref<1x4x4096xf32, #tpu.memory_space<hbm>>
    %dma_start3A_16 = tpu.memref_squeeze %dma_start3A_15 : memref<1x4x4096xf32, #tpu.memory_space<hbm>> -> memref<4x4096xf32, #tpu.memory_space<hbm>>
    tpu.enqueue_dma source(%dma_start3A_16 : memref<4x4096xf32, #tpu.memory_space<hbm>>) target(%arg8 : memref<4x4096xf32, #tpu.memory_space<vmem>>) target_semaphore(%arg14 : memref<!tpu.dma_semaphore, #tpu.memory_space<semaphore_mem>>)
    %add3A_17 = arith.constant 4 : i32
    %add3A_18 = arith.addi %mul3A_2, %add3A_17 : i32
    %dma_start3A_19 = arith.constant 0 : i32
    %dma_start3A_20 = tpu.memref_slice %arg3[%add3A_18, %dma_start3A_19] : memref<8192x4096xf32, #tpu.memory_space<hbm>> -> memref<4x4096xf32, #tpu.memory_space<hbm>>
    %dma_start3A_21 = arith.constant 0 : i32
    %dma_start3A_22 = tpu.memref_slice %arg3[%add3A_18, %dma_start3A_21] : memref<8192x4096xf32, #tpu.memory_space<hbm>> -> memref<4x4096xf32, #tpu.memory_space<hbm>>
    tpu.enqueue_dma source(%dma_start3A_22 : memref<4x4096xf32, #tpu.memory_space<hbm>>) target(%arg6 : memref<4x4096xf32, #tpu.memory_space<vmem>>) target_semaphore(%arg12 : memref<!tpu.dma_semaphore, #tpu.memory_space<semaphore_mem>>)
    %add3A_23 = arith.constant 4 : i32
    %add3A_24 = arith.addi %mul3A_2, %add3A_23 : i32
    %dma_start3A_25 = arith.constant 3 : i32
    %dma_start3A_26 = arith.constant 0 : i32
    %dma_start3A_27 = tpu.memref_slice %arg2[%dma_start3A_25, %add3A_24, %dma_start3A_26] : memref<4x8192x4096xf32, #tpu.memory_space<hbm>> -> memref<1x4x4096xf32, #tpu.memory_space<hbm>>
    %dma_start3A_28 = tpu.memref_squeeze %dma_start3A_27 : memref<1x4x4096xf32, #tpu.memory_space<hbm>> -> memref<4x4096xf32, #tpu.memory_space<hbm>>
    %dma_start3A_29 = arith.constant 0 : i32
    %dma_start3A_30 = tpu.memref_slice %arg2[%dma_start3A_25, %add3A_24, %dma_start3A_29] : memref<4x8192x4096xf32, #tpu.memory_space<hbm>> -> memref<1x4x4096xf32, #tpu.memory_space<hbm>>
    %dma_start3A_31 = tpu.memref_squeeze %dma_start3A_30 : memref<1x4x4096xf32, #tpu.memory_space<hbm>> -> memref<4x4096xf32, #tpu.memory_space<hbm>>
    tpu.enqueue_dma source(%dma_start3A_31 : memref<4x4096xf32, #tpu.memory_space<hbm>>) target(%arg9 : memref<4x4096xf32, #tpu.memory_space<vmem>>) target_semaphore(%arg15 : memref<!tpu.dma_semaphore, #tpu.memory_space<semaphore_mem>>)
    %scan3A = arith.constant 0 : i32
    %scan3A_32 = arith.constant 0 : i32
    %scan3A_33 = arith.constant 21 : i32
    %scan3A_34 = arith.addi %scan3A_32, %scan3A_33 : i32
    %scan3A_35 = arith.constant 1 : i32
    %scan3A_36 = scf.for %scan3A_95 = %scan3A_32 to %scan3A_34 step %scan3A_35 iter_args(%scan3A_96 = %scan3A) -> (i32)  : i32 {
      %mul3A_97 = arith.constant 3 : i32
      %mul3A_98 = arith.muli %scan3A_95, %mul3A_97 : i32
      %add3A_99 = arith.constant 0 : i32
      %add3A_100 = arith.addi %mul3A_98, %add3A_99 : i32
      %add3A_101 = arith.constant 2 : i32
      %add3A_102 = arith.addi %add3A_100, %add3A_101 : i32
      %gt3A = arith.constant 0 : i32
      %gt3A_103 = arith.cmpi sgt, %scan3A_95, %gt3A : i32
      %convert_element_type3A = arith.extui %gt3A_103 : i1 to i32
      %cond3A = arith.constant 0 : i32
      %cond3A_104 = arith.cmpi ne, %convert_element_type3A, %cond3A : i32
      scf.if %cond3A_104 {
        %lt3A_229 = arith.constant 64 : i32
        %lt3A_230 = arith.cmpi slt, %add3A_102, %lt3A_229 : i32
        %convert_element_type3A_231 = arith.extui %lt3A_230 : i1 to i32
        %cond3A_232 = arith.constant 0 : i32
        %cond3A_233 = arith.cmpi ne, %convert_element_type3A_231, %cond3A_232 : i32
        scf.if %cond3A_233 {
          %mul3A_234 = arith.constant 4 : i32
          %mul3A_235 = arith.muli %add3A_102, %mul3A_234 : i32
          %add3A_236 = arith.addi %mul3A_2, %mul3A_235 : i32
          %dma_wait3A_237 = arith.constant 0 : i32
          %dma_wait3A_238 = arith.constant 0 : i32
          %dma_wait3A_239 = tpu.memref_slice %arg4[%dma_wait3A_237, %add3A_236, %dma_wait3A_238] : memref<1x8192x4096xf32, #tpu.memory_space<hbm>> -> memref<1x4x4096xf32, #tpu.memory_space<hbm>>
          %dma_wait3A_240 = tpu.memref_squeeze %dma_wait3A_239 : memref<1x4x4096xf32, #tpu.memory_space<hbm>> -> memref<4x4096xf32, #tpu.memory_space<hbm>>
          %dma_wait3A_241 = arith.constant 0 : i32
          %dma_wait3A_242 = tpu.memref_slice %arg4[%dma_wait3A_237, %add3A_236, %dma_wait3A_241] : memref<1x8192x4096xf32, #tpu.memory_space<hbm>> -> memref<1x4x4096xf32, #tpu.memory_space<hbm>>
          %dma_wait3A_243 = tpu.memref_squeeze %dma_wait3A_242 : memref<1x4x4096xf32, #tpu.memory_space<hbm>> -> memref<4x4096xf32, #tpu.memory_space<hbm>>
          tpu.wait_dma2 semaphore(%arg19 : memref<!tpu.dma_semaphore, #tpu.memory_space<semaphore_mem>>) src(%arg10 : memref<4x4096xf32, #tpu.memory_space<vmem>>) dst(%dma_wait3A_243 : memref<4x4096xf32, #tpu.memory_space<hbm>>)
          %mul3A_244 = arith.constant 4 : i32
          %mul3A_245 = arith.muli %add3A_102, %mul3A_244 : i32
          %add3A_246 = arith.addi %mul3A_2, %mul3A_245 : i32
          %dma_start3A_247 = arith.constant 0 : i32
          %dma_start3A_248 = tpu.memref_slice %arg3[%add3A_246, %dma_start3A_247] : memref<8192x4096xf32, #tpu.memory_space<hbm>> -> memref<4x4096xf32, #tpu.memory_space<hbm>>
          %dma_start3A_249 = arith.constant 0 : i32
          %dma_start3A_250 = tpu.memref_slice %arg3[%add3A_246, %dma_start3A_249] : memref<8192x4096xf32, #tpu.memory_space<hbm>> -> memref<4x4096xf32, #tpu.memory_space<hbm>>
          tpu.enqueue_dma source(%dma_start3A_250 : memref<4x4096xf32, #tpu.memory_space<hbm>>) target(%arg7 : memref<4x4096xf32, #tpu.memory_space<vmem>>) target_semaphore(%arg13 : memref<!tpu.dma_semaphore, #tpu.memory_space<semaphore_mem>>)
          %mul3A_251 = arith.constant 4 : i32
          %mul3A_252 = arith.muli %add3A_102, %mul3A_251 : i32
          %add3A_253 = arith.addi %mul3A_2, %mul3A_252 : i32
          %dma_start3A_254 = arith.constant 3 : i32
          %dma_start3A_255 = arith.constant 0 : i32
          %dma_start3A_256 = tpu.memref_slice %arg2[%dma_start3A_254, %add3A_253, %dma_start3A_255] : memref<4x8192x4096xf32, #tpu.memory_space<hbm>> -> memref<1x4x4096xf32, #tpu.memory_space<hbm>>
          %dma_start3A_257 = tpu.memref_squeeze %dma_start3A_256 : memref<1x4x4096xf32, #tpu.memory_space<hbm>> -> memref<4x4096xf32, #tpu.memory_space<hbm>>
          %dma_start3A_258 = arith.constant 0 : i32
          %dma_start3A_259 = tpu.memref_slice %arg2[%dma_start3A_254, %add3A_253, %dma_start3A_258] : memref<4x8192x4096xf32, #tpu.memory_space<hbm>> -> memref<1x4x4096xf32, #tpu.memory_space<hbm>>
          %dma_start3A_260 = tpu.memref_squeeze %dma_start3A_259 : memref<1x4x4096xf32, #tpu.memory_space<hbm>> -> memref<4x4096xf32, #tpu.memory_space<hbm>>
          tpu.enqueue_dma source(%dma_start3A_260 : memref<4x4096xf32, #tpu.memory_space<hbm>>) target(%arg10 : memref<4x4096xf32, #tpu.memory_space<vmem>>) target_semaphore(%arg16 : memref<!tpu.dma_semaphore, #tpu.memory_space<semaphore_mem>>)
        } else {
        }
      } else {
        %lt3A_229 = arith.constant 64 : i32
        %lt3A_230 = arith.cmpi slt, %add3A_102, %lt3A_229 : i32
        %convert_element_type3A_231 = arith.extui %lt3A_230 : i1 to i32
        %cond3A_232 = arith.constant 0 : i32
        %cond3A_233 = arith.cmpi ne, %convert_element_type3A_231, %cond3A_232 : i32
        scf.if %cond3A_233 {
          %mul3A_234 = arith.constant 4 : i32
          %mul3A_235 = arith.muli %add3A_102, %mul3A_234 : i32
          %add3A_236 = arith.addi %mul3A_2, %mul3A_235 : i32
          %dma_start3A_237 = arith.constant 0 : i32
          %dma_start3A_238 = tpu.memref_slice %arg3[%add3A_236, %dma_start3A_237] : memref<8192x4096xf32, #tpu.memory_space<hbm>> -> memref<4x4096xf32, #tpu.memory_space<hbm>>
          %dma_start3A_239 = arith.constant 0 : i32
          %dma_start3A_240 = tpu.memref_slice %arg3[%add3A_236, %dma_start3A_239] : memref<8192x4096xf32, #tpu.memory_space<hbm>> -> memref<4x4096xf32, #tpu.memory_space<hbm>>
          tpu.enqueue_dma source(%dma_start3A_240 : memref<4x4096xf32, #tpu.memory_space<hbm>>) target(%arg7 : memref<4x4096xf32, #tpu.memory_space<vmem>>) target_semaphore(%arg13 : memref<!tpu.dma_semaphore, #tpu.memory_space<semaphore_mem>>)
          %mul3A_241 = arith.constant 4 : i32
          %mul3A_242 = arith.muli %add3A_102, %mul3A_241 : i32
          %add3A_243 = arith.addi %mul3A_2, %mul3A_242 : i32
          %dma_start3A_244 = arith.constant 3 : i32
          %dma_start3A_245 = arith.constant 0 : i32
          %dma_start3A_246 = tpu.memref_slice %arg2[%dma_start3A_244, %add3A_243, %dma_start3A_245] : memref<4x8192x4096xf32, #tpu.memory_space<hbm>> -> memref<1x4x4096xf32, #tpu.memory_space<hbm>>
          %dma_start3A_247 = tpu.memref_squeeze %dma_start3A_246 : memref<1x4x4096xf32, #tpu.memory_space<hbm>> -> memref<4x4096xf32, #tpu.memory_space<hbm>>
          %dma_start3A_248 = arith.constant 0 : i32
          %dma_start3A_249 = tpu.memref_slice %arg2[%dma_start3A_244, %add3A_243, %dma_start3A_248] : memref<4x8192x4096xf32, #tpu.memory_space<hbm>> -> memref<1x4x4096xf32, #tpu.memory_space<hbm>>
          %dma_start3A_250 = tpu.memref_squeeze %dma_start3A_249 : memref<1x4x4096xf32, #tpu.memory_space<hbm>> -> memref<4x4096xf32, #tpu.memory_space<hbm>>
          tpu.enqueue_dma source(%dma_start3A_250 : memref<4x4096xf32, #tpu.memory_space<hbm>>) target(%arg10 : memref<4x4096xf32, #tpu.memory_space<vmem>>) target_semaphore(%arg16 : memref<!tpu.dma_semaphore, #tpu.memory_space<semaphore_mem>>)
        } else {
        }
      }
      %mul3A_105 = arith.constant 4 : i32
      %mul3A_106 = arith.muli %add3A_100, %mul3A_105 : i32
      %add3A_107 = arith.addi %mul3A_2, %mul3A_106 : i32
      %dma_wait3A_108 = arith.constant 0 : i32
      %dma_wait3A_109 = tpu.memref_slice %arg3[%add3A_107, %dma_wait3A_108] : memref<8192x4096xf32, #tpu.memory_space<hbm>> -> memref<4x4096xf32, #tpu.memory_space<hbm>>
      %dma_wait3A_110 = arith.constant 0 : i32
      %dma_wait3A_111 = tpu.memref_slice %arg3[%add3A_107, %dma_wait3A_110] : memref<8192x4096xf32, #tpu.memory_space<hbm>> -> memref<4x4096xf32, #tpu.memory_space<hbm>>
      tpu.wait_dma2 semaphore(%arg11 : memref<!tpu.dma_semaphore, #tpu.memory_space<semaphore_mem>>) src(%dma_wait3A_111 : memref<4x4096xf32, #tpu.memory_space<hbm>>) dst(%arg5 : memref<4x4096xf32, #tpu.memory_space<vmem>>)
      %mul3A_112 = arith.constant 4 : i32
      %mul3A_113 = arith.muli %add3A_100, %mul3A_112 : i32
      %add3A_114 = arith.addi %mul3A_2, %mul3A_113 : i32
      %dma_wait3A_115 = arith.constant 3 : i32
      %dma_wait3A_116 = arith.constant 0 : i32
      %dma_wait3A_117 = tpu.memref_slice %arg2[%dma_wait3A_115, %add3A_114, %dma_wait3A_116] : memref<4x8192x4096xf32, #tpu.memory_space<hbm>> -> memref<1x4x4096xf32, #tpu.memory_space<hbm>>
      %dma_wait3A_118 = tpu.memref_squeeze %dma_wait3A_117 : memref<1x4x4096xf32, #tpu.memory_space<hbm>> -> memref<4x4096xf32, #tpu.memory_space<hbm>>
      %dma_wait3A_119 = arith.constant 0 : i32
      %dma_wait3A_120 = tpu.memref_slice %arg2[%dma_wait3A_115, %add3A_114, %dma_wait3A_119] : memref<4x8192x4096xf32, #tpu.memory_space<hbm>> -> memref<1x4x4096xf32, #tpu.memory_space<hbm>>
      %dma_wait3A_121 = tpu.memref_squeeze %dma_wait3A_120 : memref<1x4x4096xf32, #tpu.memory_space<hbm>> -> memref<4x4096xf32, #tpu.memory_space<hbm>>
      tpu.wait_dma2 semaphore(%arg14 : memref<!tpu.dma_semaphore, #tpu.memory_space<semaphore_mem>>) src(%dma_wait3A_121 : memref<4x4096xf32, #tpu.memory_space<hbm>>) dst(%arg8 : memref<4x4096xf32, #tpu.memory_space<vmem>>)
      %scan3A_122 = arith.constant 0 : i32
      %scan3A_123 = arith.constant 0 : i32
      %scan3A_124 = arith.constant 128 : i32
      %scan3A_125 = arith.addi %scan3A_123, %scan3A_124 : i32
      %scan3A_126 = arith.constant 1 : i32
      %scan3A_127 = scf.for %scan3A_229 = %scan3A_123 to %scan3A_125 step %scan3A_126 iter_args(%scan3A_230 = %scan3A_122) -> (i32)  : i32 {
        %mul3A_231 = arith.constant 8 : i32
        %mul3A_232 = arith.muli %scan3A_229, %mul3A_231 : i32
        %add3A_233 = arith.constant 0 : i32
        %add3A_234 = arith.addi %mul3A_232, %add3A_233 : i32
        %jit3A = arith.constant 256 : i32
        %div3A = arith.divsi %add3A_234, %jit3A : i32
        %sign3A = arith.constant 0 : i32
        %sign3A_235 = arith.cmpi sgt, %add3A_234, %sign3A : i32
        %sign3A_236 = arith.extui %sign3A_235 : i1 to i32
        %sign3A_237 = arith.constant 0 : i32
        %sign3A_238 = arith.cmpi slt, %add3A_234, %sign3A_237 : i32
        %sign3A_239 = arith.extui %sign3A_238 : i1 to i32
        %sign3A_240 = arith.subi %sign3A_236, %sign3A_239 : i32
        %sign3A_241 = arith.constant 0 : i32
        %sign3A_242 = arith.cmpi sgt, %jit3A, %sign3A_241 : i32
        %sign3A_243 = arith.extui %sign3A_242 : i1 to i32
        %sign3A_244 = arith.constant 0 : i32
        %sign3A_245 = arith.cmpi slt, %jit3A, %sign3A_244 : i32
        %sign3A_246 = arith.extui %sign3A_245 : i1 to i32
        %sign3A_247 = arith.subi %sign3A_243, %sign3A_246 : i32
        %ne3A = arith.cmpi ne, %sign3A_240, %sign3A_247 : i32
        %rem3A = arith.remsi %add3A_234, %jit3A : i32
        %ne3A_248 = arith.constant 0 : i32
        %ne3A_249 = arith.cmpi ne, %rem3A, %ne3A_248 : i32
        %and3A = arith.andi %ne3A, %ne3A_249 : i1
        %sub3A = arith.constant 1 : i32
        %sub3A_250 = arith.subi %div3A, %sub3A : i32
        %select_n3A = arith.select %and3A, %sub3A_250, %div3A : i32
        %jit3A_251 = arith.constant 256 : i32
        %eq3A = arith.constant 0 : i32
        %eq3A_252 = arith.cmpi eq, %jit3A_251, %eq3A : i32
        %jit3A_253 = arith.constant 1 : i32
        %select_n3A_254 = arith.select %eq3A_252, %jit3A_253, %jit3A_251 : i32
        %rem3A_255 = arith.remsi %add3A_234, %select_n3A_254 : i32
        %ne3A_256 = arith.constant 0 : i32
        %ne3A_257 = arith.cmpi ne, %rem3A_255, %ne3A_256 : i32
        %lt3A_258 = arith.constant 0 : i32
        %lt3A_259 = arith.cmpi slt, %rem3A_255, %lt3A_258 : i32
        %lt3A_260 = arith.constant 0 : i32
        %lt3A_261 = arith.cmpi slt, %select_n3A_254, %lt3A_260 : i32
        %ne3A_262 = arith.xori %lt3A_259, %lt3A_261 : i1
        %and3A_263 = arith.andi %ne3A_262, %ne3A_257 : i1
        %add3A_264 = arith.addi %rem3A_255, %select_n3A_254 : i32
        %select_n3A_265 = arith.select %and3A_263, %add3A_264, %rem3A_255 : i32
        %mul3A_266 = arith.constant 16 : i32
        %mul3A_267 = arith.muli %select_n3A_265, %mul3A_266 : i32
        %get3A = arith.index_cast %select_n3A : i32 to index
        %get3A_268 = arith.index_cast %mul3A_267 : i32 to index
        %get3A_269 = tpu.vector_load %arg8[%get3A, %get3A_268] {strides = array<i32>} : memref<4x4096xf32, #tpu.memory_space<vmem>>, vector<1x16xf32>,
        %get3A_270 = vector.shape_cast %get3A_269 : vector<1x16xf32> to vector<16xf32>
        %get3A_271 = arith.index_cast %select_n3A : i32 to index
        %get3A_272 = arith.index_cast %mul3A_267 : i32 to index
        %get3A_273 = tpu.vector_load %arg5[%get3A_271, %get3A_272] {strides = array<i32>} : memref<4x4096xf32, #tpu.memory_space<vmem>>, vector<1x16xf32>,
        %get3A_274 = vector.shape_cast %get3A_273 : vector<1x16xf32> to vector<16xf32>
        %add3A_275 = arith.addf %get3A_270, %get3A_274 : vector<16xf32>
        %swap3A = arith.index_cast %select_n3A : i32 to index
        %swap3A_276 = arith.index_cast %mul3A_267 : i32 to index
        %swap3A_277 = tpu.vector_load %arg8[%swap3A, %swap3A_276] {strides = array<i32>} : memref<4x4096xf32, #tpu.memory_space<vmem>>, vector<1x16xf32>,
        %swap3A_278 = vector.shape_cast %swap3A_277 : vector<1x16xf32> to vector<16xf32>
        %swap3A_279 = vector.shape_cast %add3A_275 : vector<16xf32> to vector<1x16xf32>
        tpu.vector_store %arg8[%swap3A, %swap3A_276], %swap3A_279 {strides = array<i32>} : memref<4x4096xf32, #tpu.memory_space<vmem>>, vector<1x16xf32>,
        %mul3A_280 = arith.constant 8 : i32
        %mul3A_281 = arith.muli %scan3A_229, %mul3A_280 : i32
        %add3A_282 = arith.constant 1 : i32
        %add3A_283 = arith.addi %mul3A_281, %add3A_282 : i32
        %jit3A_284 = arith.constant 256 : i32
        %div3A_285 = arith.divsi %add3A_283, %jit3A_284 : i32
        %sign3A_286 = arith.constant 0 : i32
        %sign3A_287 = arith.cmpi sgt, %add3A_283, %sign3A_286 : i32
        %sign3A_288 = arith.extui %sign3A_287 : i1 to i32
        %sign3A_289 = arith.constant 0 : i32
        %sign3A_290 = arith.cmpi slt, %add3A_283, %sign3A_289 : i32
        %sign3A_291 = arith.extui %sign3A_290 : i1 to i32
        %sign3A_292 = arith.subi %sign3A_288, %sign3A_291 : i32
        %sign3A_293 = arith.constant 0 : i32
        %sign3A_294 = arith.cmpi sgt, %jit3A_284, %sign3A_293 : i32
        %sign3A_295 = arith.extui %sign3A_294 : i1 to i32
        %sign3A_296 = arith.constant 0 : i32
        %sign3A_297 = arith.cmpi slt, %jit3A_284, %sign3A_296 : i32
        %sign3A_298 = arith.extui %sign3A_297 : i1 to i32
        %sign3A_299 = arith.subi %sign3A_295, %sign3A_298 : i32
        %ne3A_300 = arith.cmpi ne, %sign3A_292, %sign3A_299 : i32
        %rem3A_301 = arith.remsi %add3A_283, %jit3A_284 : i32
        %ne3A_302 = arith.constant 0 : i32
        %ne3A_303 = arith.cmpi ne, %rem3A_301, %ne3A_302 : i32
        %and3A_304 = arith.andi %ne3A_300, %ne3A_303 : i1
        %sub3A_305 = arith.constant 1 : i32
        %sub3A_306 = arith.subi %div3A_285, %sub3A_305 : i32
        %select_n3A_307 = arith.select %and3A_304, %sub3A_306, %div3A_285 : i32
        %jit3A_308 = arith.constant 256 : i32
        %eq3A_309 = arith.constant 0 : i32
        %eq3A_310 = arith.cmpi eq, %jit3A_308, %eq3A_309 : i32
        %jit3A_311 = arith.constant 1 : i32
        %select_n3A_312 = arith.select %eq3A_310, %jit3A_311, %jit3A_308 : i32
        %rem3A_313 = arith.remsi %add3A_283, %select_n3A_312 : i32
        %ne3A_314 = arith.constant 0 : i32
        %ne3A_315 = arith.cmpi ne, %rem3A_313, %ne3A_314 : i32
        %lt3A_316 = arith.constant 0 : i32
        %lt3A_317 = arith.cmpi slt, %rem3A_313, %lt3A_316 : i32
        %lt3A_318 = arith.constant 0 : i32
        %lt3A_319 = arith.cmpi slt, %select_n3A_312, %lt3A_318 : i32
        %ne3A_320 = arith.xori %lt3A_317, %lt3A_319 : i1
        %and3A_321 = arith.andi %ne3A_320, %ne3A_315 : i1
        %add3A_322 = arith.addi %rem3A_313, %select_n3A_312 : i32
        %select_n3A_323 = arith.select %and3A_321, %add3A_322, %rem3A_313 : i32
        %mul3A_324 = arith.constant 16 : i32
        %mul3A_325 = arith.muli %select_n3A_323, %mul3A_324 : i32
        %get3A_326 = arith.index_cast %select_n3A_307 : i32 to index
        %get3A_327 = arith.index_cast %mul3A_325 : i32 to index
        %get3A_328 = tpu.vector_load %arg8[%get3A_326, %get3A_327] {strides = array<i32>} : memref<4x4096xf32, #tpu.memory_space<vmem>>, vector<1x16xf32>,
        %get3A_329 = vector.shape_cast %get3A_328 : vector<1x16xf32> to vector<16xf32>
        %get3A_330 = arith.index_cast %select_n3A_307 : i32 to index
        %get3A_331 = arith.index_cast %mul3A_325 : i32 to index
        %get3A_332 = tpu.vector_load %arg5[%get3A_330, %get3A_331] {strides = array<i32>} : memref<4x4096xf32, #tpu.memory_space<vmem>>, vector<1x16xf32>,
        %get3A_333 = vector.shape_cast %get3A_332 : vector<1x16xf32> to vector<16xf32>
        %add3A_334 = arith.addf %get3A_329, %get3A_333 : vector<16xf32>
        %swap3A_335 = arith.index_cast %select_n3A_307 : i32 to index
        %swap3A_336 = arith.index_cast %mul3A_325 : i32 to index
        %swap3A_337 = tpu.vector_load %arg8[%swap3A_335, %swap3A_336] {strides = array<i32>} : memref<4x4096xf32, #tpu.memory_space<vmem>>, vector<1x16xf32>,
        %swap3A_338 = vector.shape_cast %swap3A_337 : vector<1x16xf32> to vector<16xf32>
        %swap3A_339 = vector.shape_cast %add3A_334 : vector<16xf32> to vector<1x16xf32>
        tpu.vector_store %arg8[%swap3A_335, %swap3A_336], %swap3A_339 {strides = array<i32>} : memref<4x4096xf32, #tpu.memory_space<vmem>>, vector<1x16xf32>,
        %mul3A_340 = arith.constant 8 : i32
        %mul3A_341 = arith.muli %scan3A_229, %mul3A_340 : i32
        %add3A_342 = arith.constant 2 : i32
        %add3A_343 = arith.addi %mul3A_341, %add3A_342 : i32
        %jit3A_344 = arith.constant 256 : i32
        %div3A_345 = arith.divsi %add3A_343, %jit3A_344 : i32
        %sign3A_346 = arith.constant 0 : i32
        %sign3A_347 = arith.cmpi sgt, %add3A_343, %sign3A_346 : i32
        %sign3A_348 = arith.extui %sign3A_347 : i1 to i32
        %sign3A_349 = arith.constant 0 : i32
        %sign3A_350 = arith.cmpi slt, %add3A_343, %sign3A_349 : i32
        %sign3A_351 = arith.extui %sign3A_350 : i1 to i32
        %sign3A_352 = arith.subi %sign3A_348, %sign3A_351 : i32
        %sign3A_353 = arith.constant 0 : i32
        %sign3A_354 = arith.cmpi sgt, %jit3A_344, %sign3A_353 : i32
        %sign3A_355 = arith.extui %sign3A_354 : i1 to i32
        %sign3A_356 = arith.constant 0 : i32
        %sign3A_357 = arith.cmpi slt, %jit3A_344, %sign3A_356 : i32
        %sign3A_358 = arith.extui %sign3A_357 : i1 to i32
        %sign3A_359 = arith.subi %sign3A_355, %sign3A_358 : i32
        %ne3A_360 = arith.cmpi ne, %sign3A_352, %sign3A_359 : i32
        %rem3A_361 = arith.remsi %add3A_343, %jit3A_344 : i32
        %ne3A_362 = arith.constant 0 : i32
        %ne3A_363 = arith.cmpi ne, %rem3A_361, %ne3A_362 : i32
        %and3A_364 = arith.andi %ne3A_360, %ne3A_363 : i1
        %sub3A_365 = arith.constant 1 : i32
        %sub3A_366 = arith.subi %div3A_345, %sub3A_365 : i32
        %select_n3A_367 = arith.select %and3A_364, %sub3A_366, %div3A_345 : i32
        %jit3A_368 = arith.constant 256 : i32
        %eq3A_369 = arith.constant 0 : i32
        %eq3A_370 = arith.cmpi eq, %jit3A_368, %eq3A_369 : i32
        %jit3A_371 = arith.constant 1 : i32
        %select_n3A_372 = arith.select %eq3A_370, %jit3A_371, %jit3A_368 : i32
        %rem3A_373 = arith.remsi %add3A_343, %select_n3A_372 : i32
        %ne3A_374 = arith.constant 0 : i32
        %ne3A_375 = arith.cmpi ne, %rem3A_373, %ne3A_374 : i32
        %lt3A_376 = arith.constant 0 : i32
        %lt3A_377 = arith.cmpi slt, %rem3A_373, %lt3A_376 : i32
        %lt3A_378 = arith.constant 0 : i32
        %lt3A_379 = arith.cmpi slt, %select_n3A_372, %lt3A_378 : i32
        %ne3A_380 = arith.xori %lt3A_377, %lt3A_379 : i1
        %and3A_381 = arith.andi %ne3A_380, %ne3A_375 : i1
        %add3A_382 = arith.addi %rem3A_373, %select_n3A_372 : i32
        %select_n3A_383 = arith.select %and3A_381, %add3A_382, %rem3A_373 : i32
        %mul3A_384 = arith.constant 16 : i32
        %mul3A_385 = arith.muli %select_n3A_383, %mul3A_384 : i32
        %get3A_386 = arith.index_cast %select_n3A_367 : i32 to index
        %get3A_387 = arith.index_cast %mul3A_385 : i32 to index
        %get3A_388 = tpu.vector_load %arg8[%get3A_386, %get3A_387] {strides = array<i32>} : memref<4x4096xf32, #tpu.memory_space<vmem>>, vector<1x16xf32>,
        %get3A_389 = vector.shape_cast %get3A_388 : vector<1x16xf32> to vector<16xf32>
        %get3A_390 = arith.index_cast %select_n3A_367 : i32 to index
        %get3A_391 = arith.index_cast %mul3A_385 : i32 to index
        %get3A_392 = tpu.vector_load %arg5[%get3A_390, %get3A_391] {strides = array<i32>} : memref<4x4096xf32, #tpu.memory_space<vmem>>, vector<1x16xf32>,
        %get3A_393 = vector.shape_cast %get3A_392 : vector<1x16xf32> to vector<16xf32>
        %add3A_394 = arith.addf %get3A_389, %get3A_393 : vector<16xf32>
        %swap3A_395 = arith.index_cast %select_n3A_367 : i32 to index
        %swap3A_396 = arith.index_cast %mul3A_385 : i32 to index
        %swap3A_397 = tpu.vector_load %arg8[%swap3A_395, %swap3A_396] {strides = array<i32>} : memref<4x4096xf32, #tpu.memory_space<vmem>>, vector<1x16xf32>,
        %swap3A_398 = vector.shape_cast %swap3A_397 : vector<1x16xf32> to vector<16xf32>
        %swap3A_399 = vector.shape_cast %add3A_394 : vector<16xf32> to vector<1x16xf32>
        tpu.vector_store %arg8[%swap3A_395, %swap3A_396], %swap3A_399 {strides = array<i32>} : memref<4x4096xf32, #tpu.memory_space<vmem>>, vector<1x16xf32>,
        %mul3A_400 = arith.constant 8 : i32
        %mul3A_401 = arith.muli %scan3A_229, %mul3A_400 : i32
        %add3A_402 = arith.constant 3 : i32
        %add3A_403 = arith.addi %mul3A_401, %add3A_402 : i32
        %jit3A_404 = arith.constant 256 : i32
        %div3A_405 = arith.divsi %add3A_403, %jit3A_404 : i32
        %sign3A_406 = arith.constant 0 : i32
        %sign3A_407 = arith.cmpi sgt, %add3A_403, %sign3A_406 : i32
        %sign3A_408 = arith.extui %sign3A_407 : i1 to i32
        %sign3A_409 = arith.constant 0 : i32
        %sign3A_410 = arith.cmpi slt, %add3A_403, %sign3A_409 : i32
        %sign3A_411 = arith.extui %sign3A_410 : i1 to i32
        %sign3A_412 = arith.subi %sign3A_408, %sign3A_411 : i32
        %sign3A_413 = arith.constant 0 : i32
        %sign3A_414 = arith.cmpi sgt, %jit3A_404, %sign3A_413 : i32
        %sign3A_415 = arith.extui %sign3A_414 : i1 to i32
        %sign3A_416 = arith.constant 0 : i32
        %sign3A_417 = arith.cmpi slt, %jit3A_404, %sign3A_416 : i32
        %sign3A_418 = arith.extui %sign3A_417 : i1 to i32
        %sign3A_419 = arith.subi %sign3A_415, %sign3A_418 : i32
        %ne3A_420 = arith.cmpi ne, %sign3A_412, %sign3A_419 : i32
        %rem3A_421 = arith.remsi %add3A_403, %jit3A_404 : i32
        %ne3A_422 = arith.constant 0 : i32
        %ne3A_423 = arith.cmpi ne, %rem3A_421, %ne3A_422 : i32
        %and3A_424 = arith.andi %ne3A_420, %ne3A_423 : i1
        %sub3A_425 = arith.constant 1 : i32
        %sub3A_426 = arith.subi %div3A_405, %sub3A_425 : i32
        %select_n3A_427 = arith.select %and3A_424, %sub3A_426, %div3A_405 : i32
        %jit3A_428 = arith.constant 256 : i32
        %eq3A_429 = arith.constant 0 : i32
        %eq3A_430 = arith.cmpi eq, %jit3A_428, %eq3A_429 : i32
        %jit3A_431 = arith.constant 1 : i32
        %select_n3A_432 = arith.select %eq3A_430, %jit3A_431, %jit3A_428 : i32
        %rem3A_433 = arith.remsi %add3A_403, %select_n3A_432 : i32
        %ne3A_434 = arith.constant 0 : i32
        %ne3A_435 = arith.cmpi ne, %rem3A_433, %ne3A_434 : i32
        %lt3A_436 = arith.constant 0 : i32
        %lt3A_437 = arith.cmpi slt, %rem3A_433, %lt3A_436 : i32
        %lt3A_438 = arith.constant 0 : i32
        %lt3A_439 = arith.cmpi slt, %select_n3A_432, %lt3A_438 : i32
        %ne3A_440 = arith.xori %lt3A_437, %lt3A_439 : i1
        %and3A_441 = arith.andi %ne3A_440, %ne3A_435 : i1
        %add3A_442 = arith.addi %rem3A_433, %select_n3A_432 : i32
        %select_n3A_443 = arith.select %and3A_441, %add3A_442, %rem3A_433 : i32
        %mul3A_444 = arith.constant 16 : i32
        %mul3A_445 = arith.muli %select_n3A_443, %mul3A_444 : i32
        %get3A_446 = arith.index_cast %select_n3A_427 : i32 to index
        %get3A_447 = arith.index_cast %mul3A_445 : i32 to index
        %get3A_448 = tpu.vector_load %arg8[%get3A_446, %get3A_447] {strides = array<i32>} : memref<4x4096xf32, #tpu.memory_space<vmem>>, vector<1x16xf32>,
        %get3A_449 = vector.shape_cast %get3A_448 : vector<1x16xf32> to vector<16xf32>
        %get3A_450 = arith.index_cast %select_n3A_427 : i32 to index
        %get3A_451 = arith.index_cast %mul3A_445 : i32 to index
        %get3A_452 = tpu.vector_load %arg5[%get3A_450, %get3A_451] {strides = array<i32>} : memref<4x4096xf32, #tpu.memory_space<vmem>>, vector<1x16xf32>,
        %get3A_453 = vector.shape_cast %get3A_452 : vector<1x16xf32> to vector<16xf32>
        %add3A_454 = arith.addf %get3A_449, %get3A_453 : vector<16xf32>
        %swap3A_455 = arith.index_cast %select_n3A_427 : i32 to index
        %swap3A_456 = arith.index_cast %mul3A_445 : i32 to index
        %swap3A_457 = tpu.vector_load %arg8[%swap3A_455, %swap3A_456] {strides = array<i32>} : memref<4x4096xf32, #tpu.memory_space<vmem>>, vector<1x16xf32>,
        %swap3A_458 = vector.shape_cast %swap3A_457 : vector<1x16xf32> to vector<16xf32>
        %swap3A_459 = vector.shape_cast %add3A_454 : vector<16xf32> to vector<1x16xf32>
        tpu.vector_store %arg8[%swap3A_455, %swap3A_456], %swap3A_459 {strides = array<i32>} : memref<4x4096xf32, #tpu.memory_space<vmem>>, vector<1x16xf32>,
        %mul3A_460 = arith.constant 8 : i32
        %mul3A_461 = arith.muli %scan3A_229, %mul3A_460 : i32
        %add3A_462 = arith.constant 4 : i32
        %add3A_463 = arith.addi %mul3A_461, %add3A_462 : i32
        %jit3A_464 = arith.constant 256 : i32
        %div3A_465 = arith.divsi %add3A_463, %jit3A_464 : i32
        %sign3A_466 = arith.constant 0 : i32
        %sign3A_467 = arith.cmpi sgt, %add3A_463, %sign3A_466 : i32
        %sign3A_468 = arith.extui %sign3A_467 : i1 to i32
        %sign3A_469 = arith.constant 0 : i32
        %sign3A_470 = arith.cmpi slt, %add3A_463, %sign3A_469 : i32
        %sign3A_471 = arith.extui %sign3A_470 : i1 to i32
        %sign3A_472 = arith.subi %sign3A_468, %sign3A_471 : i32
        %sign3A_473 = arith.constant 0 : i32
        %sign3A_474 = arith.cmpi sgt, %jit3A_464, %sign3A_473 : i32
        %sign3A_475 = arith.extui %sign3A_474 : i1 to i32
        %sign3A_476 = arith.constant 0 : i32
        %sign3A_477 = arith.cmpi slt, %jit3A_464, %sign3A_476 : i32
        %sign3A_478 = arith.extui %sign3A_477 : i1 to i32
        %sign3A_479 = arith.subi %sign3A_475, %sign3A_478 : i32
        %ne3A_480 = arith.cmpi ne, %sign3A_472, %sign3A_479 : i32
        %rem3A_481 = arith.remsi %add3A_463, %jit3A_464 : i32
        %ne3A_482 = arith.constant 0 : i32
        %ne3A_483 = arith.cmpi ne, %rem3A_481, %ne3A_482 : i32
        %and3A_484 = arith.andi %ne3A_480, %ne3A_483 : i1
        %sub3A_485 = arith.constant 1 : i32
        %sub3A_486 = arith.subi %div3A_465, %sub3A_485 : i32
        %select_n3A_487 = arith.select %and3A_484, %sub3A_486, %div3A_465 : i32
        %jit3A_488 = arith.constant 256 : i32
        %eq3A_489 = arith.constant 0 : i32
        %eq3A_490 = arith.cmpi eq, %jit3A_488, %eq3A_489 : i32
        %jit3A_491 = arith.constant 1 : i32
        %select_n3A_492 = arith.select %eq3A_490, %jit3A_491, %jit3A_488 : i32
        %rem3A_493 = arith.remsi %add3A_463, %select_n3A_492 : i32
        %ne3A_494 = arith.constant 0 : i32
        %ne3A_495 = arith.cmpi ne, %rem3A_493, %ne3A_494 : i32
        %lt3A_496 = arith.constant 0 : i32
        %lt3A_497 = arith.cmpi slt, %rem3A_493, %lt3A_496 : i32
        %lt3A_498 = arith.constant 0 : i32
        %lt3A_499 = arith.cmpi slt, %select_n3A_492, %lt3A_498 : i32
        %ne3A_500 = arith.xori %lt3A_497, %lt3A_499 : i1
        %and3A_501 = arith.andi %ne3A_500, %ne3A_495 : i1
        %add3A_502 = arith.addi %rem3A_493, %select_n3A_492 : i32
        %select_n3A_503 = arith.select %and3A_501, %add3A_502, %rem3A_493 : i32
        %mul3A_504 = arith.constant 16 : i32
        %mul3A_505 = arith.muli %select_n3A_503, %mul3A_504 : i32
        %get3A_506 = arith.index_cast %select_n3A_487 : i32 to index
        %get3A_507 = arith.index_cast %mul3A_505 : i32 to index
        %get3A_508 = tpu.vector_load %arg8[%get3A_506, %get3A_507] {strides = array<i32>} : memref<4x4096xf32, #tpu.memory_space<vmem>>, vector<1x16xf32>,
        %get3A_509 = vector.shape_cast %get3A_508 : vector<1x16xf32> to vector<16xf32>
        %get3A_510 = arith.index_cast %select_n3A_487 : i32 to index
        %get3A_511 = arith.index_cast %mul3A_505 : i32 to index
        %get3A_512 = tpu.vector_load %arg5[%get3A_510, %get3A_511] {strides = array<i32>} : memref<4x4096xf32, #tpu.memory_space<vmem>>, vector<1x16xf32>,
        %get3A_513 = vector.shape_cast %get3A_512 : vector<1x16xf32> to vector<16xf32>
        %add3A_514 = arith.addf %get3A_509, %get3A_513 : vector<16xf32>
        %swap3A_515 = arith.index_cast %select_n3A_487 : i32 to index
        %swap3A_516 = arith.index_cast %mul3A_505 : i32 to index
        %swap3A_517 = tpu.vector_load %arg8[%swap3A_515, %swap3A_516] {strides = array<i32>} : memref<4x4096xf32, #tpu.memory_space<vmem>>, vector<1x16xf32>,
        %swap3A_518 = vector.shape_cast %swap3A_517 : vector<1x16xf32> to vector<16xf32>
        %swap3A_519 = vector.shape_cast %add3A_514 : vector<16xf32> to vector<1x16xf32>
        tpu.vector_store %arg8[%swap3A_515, %swap3A_516], %swap3A_519 {strides = array<i32>} : memref<4x4096xf32, #tpu.memory_space<vmem>>, vector<1x16xf32>,
        %mul3A_520 = arith.constant 8 : i32
        %mul3A_521 = arith.muli %scan3A_229, %mul3A_520 : i32
        %add3A_522 = arith.constant 5 : i32
        %add3A_523 = arith.addi %mul3A_521, %add3A_522 : i32
        %jit3A_524 = arith.constant 256 : i32
        %div3A_525 = arith.divsi %add3A_523, %jit3A_524 : i32
        %sign3A_526 = arith.constant 0 : i32
        %sign3A_527 = arith.cmpi sgt, %add3A_523, %sign3A_526 : i32
        %sign3A_528 = arith.extui %sign3A_527 : i1 to i32
        %sign3A_529 = arith.constant 0 : i32
        %sign3A_530 = arith.cmpi slt, %add3A_523, %sign3A_529 : i32
        %sign3A_531 = arith.extui %sign3A_530 : i1 to i32
        %sign3A_532 = arith.subi %sign3A_528, %sign3A_531 : i32
        %sign3A_533 = arith.constant 0 : i32
        %sign3A_534 = arith.cmpi sgt, %jit3A_524, %sign3A_533 : i32
        %sign3A_535 = arith.extui %sign3A_534 : i1 to i32
        %sign3A_536 = arith.constant 0 : i32
        %sign3A_537 = arith.cmpi slt, %jit3A_524, %sign3A_536 : i32
        %sign3A_538 = arith.extui %sign3A_537 : i1 to i32
        %sign3A_539 = arith.subi %sign3A_535, %sign3A_538 : i32
        %ne3A_540 = arith.cmpi ne, %sign3A_532, %sign3A_539 : i32
        %rem3A_541 = arith.remsi %add3A_523, %jit3A_524 : i32
        %ne3A_542 = arith.constant 0 : i32
        %ne3A_543 = arith.cmpi ne, %rem3A_541, %ne3A_542 : i32
        %and3A_544 = arith.andi %ne3A_540, %ne3A_543 : i1
        %sub3A_545 = arith.constant 1 : i32
        %sub3A_546 = arith.subi %div3A_525, %sub3A_545 : i32
        %select_n3A_547 = arith.select %and3A_544, %sub3A_546, %div3A_525 : i32
        %jit3A_548 = arith.constant 256 : i32
        %eq3A_549 = arith.constant 0 : i32
        %eq3A_550 = arith.cmpi eq, %jit3A_548, %eq3A_549 : i32
        %jit3A_551 = arith.constant 1 : i32
        %select_n3A_552 = arith.select %eq3A_550, %jit3A_551, %jit3A_548 : i32
        %rem3A_553 = arith.remsi %add3A_523, %select_n3A_552 : i32
        %ne3A_554 = arith.constant 0 : i32
        %ne3A_555 = arith.cmpi ne, %rem3A_553, %ne3A_554 : i32
        %lt3A_556 = arith.constant 0 : i32
        %lt3A_557 = arith.cmpi slt, %rem3A_553, %lt3A_556 : i32
        %lt3A_558 = arith.constant 0 : i32
        %lt3A_559 = arith.cmpi slt, %select_n3A_552, %lt3A_558 : i32
        %ne3A_560 = arith.xori %lt3A_557, %lt3A_559 : i1
        %and3A_561 = arith.andi %ne3A_560, %ne3A_555 : i1
        %add3A_562 = arith.addi %rem3A_553, %select_n3A_552 : i32
        %select_n3A_563 = arith.select %and3A_561, %add3A_562, %rem3A_553 : i32
        %mul3A_564 = arith.constant 16 : i32
        %mul3A_565 = arith.muli %select_n3A_563, %mul3A_564 : i32
        %get3A_566 = arith.index_cast %select_n3A_547 : i32 to index
        %get3A_567 = arith.index_cast %mul3A_565 : i32 to index
        %get3A_568 = tpu.vector_load %arg8[%get3A_566, %get3A_567] {strides = array<i32>} : memref<4x4096xf32, #tpu.memory_space<vmem>>, vector<1x16xf32>,
        %get3A_569 = vector.shape_cast %get3A_568 : vector<1x16xf32> to vector<16xf32>
        %get3A_570 = arith.index_cast %select_n3A_547 : i32 to index
        %get3A_571 = arith.index_cast %mul3A_565 : i32 to index
        %get3A_572 = tpu.vector_load %arg5[%get3A_570, %get3A_571] {strides = array<i32>} : memref<4x4096xf32, #tpu.memory_space<vmem>>, vector<1x16xf32>,
        %get3A_573 = vector.shape_cast %get3A_572 : vector<1x16xf32> to vector<16xf32>
        %add3A_574 = arith.addf %get3A_569, %get3A_573 : vector<16xf32>
        %swap3A_575 = arith.index_cast %select_n3A_547 : i32 to index
        %swap3A_576 = arith.index_cast %mul3A_565 : i32 to index
        %swap3A_577 = tpu.vector_load %arg8[%swap3A_575, %swap3A_576] {strides = array<i32>} : memref<4x4096xf32, #tpu.memory_space<vmem>>, vector<1x16xf32>,
        %swap3A_578 = vector.shape_cast %swap3A_577 : vector<1x16xf32> to vector<16xf32>
        %swap3A_579 = vector.shape_cast %add3A_574 : vector<16xf32> to vector<1x16xf32>
        tpu.vector_store %arg8[%swap3A_575, %swap3A_576], %swap3A_579 {strides = array<i32>} : memref<4x4096xf32, #tpu.memory_space<vmem>>, vector<1x16xf32>,
        %mul3A_580 = arith.constant 8 : i32
        %mul3A_581 = arith.muli %scan3A_229, %mul3A_580 : i32
        %add3A_582 = arith.constant 6 : i32
        %add3A_583 = arith.addi %mul3A_581, %add3A_582 : i32
        %jit3A_584 = arith.constant 256 : i32
        %div3A_585 = arith.divsi %add3A_583, %jit3A_584 : i32
        %sign3A_586 = arith.constant 0 : i32
        %sign3A_587 = arith.cmpi sgt, %add3A_583, %sign3A_586 : i32
        %sign3A_588 = arith.extui %sign3A_587 : i1 to i32
        %sign3A_589 = arith.constant 0 : i32
        %sign3A_590 = arith.cmpi slt, %add3A_583, %sign3A_589 : i32
        %sign3A_591 = arith.extui %sign3A_590 : i1 to i32
        %sign3A_592 = arith.subi %sign3A_588, %sign3A_591 : i32
        %sign3A_593 = arith.constant 0 : i32
        %sign3A_594 = arith.cmpi sgt, %jit3A_584, %sign3A_593 : i32
        %sign3A_595 = arith.extui %sign3A_594 : i1 to i32
        %sign3A_596 = arith.constant 0 : i32
        %sign3A_597 = arith.cmpi slt, %jit3A_584, %sign3A_596 : i32
        %sign3A_598 = arith.extui %sign3A_597 : i1 to i32
        %sign3A_599 = arith.subi %sign3A_595, %sign3A_598 : i32
        %ne3A_600 = arith.cmpi ne, %sign3A_592, %sign3A_599 : i32
        %rem3A_601 = arith.remsi %add3A_583, %jit3A_584 : i32
        %ne3A_602 = arith.constant 0 : i32
        %ne3A_603 = arith.cmpi ne, %rem3A_601, %ne3A_602 : i32
        %and3A_604 = arith.andi %ne3A_600, %ne3A_603 : i1
        %sub3A_605 = arith.constant 1 : i32
        %sub3A_606 = arith.subi %div3A_585, %sub3A_605 : i32
        %select_n3A_607 = arith.select %and3A_604, %sub3A_606, %div3A_585 : i32
        %jit3A_608 = arith.constant 256 : i32
        %eq3A_609 = arith.constant 0 : i32
        %eq3A_610 = arith.cmpi eq, %jit3A_608, %eq3A_609 : i32
        %jit3A_611 = arith.constant 1 : i32
        %select_n3A_612 = arith.select %eq3A_610, %jit3A_611, %jit3A_608 : i32
        %rem3A_613 = arith.remsi %add3A_583, %select_n3A_612 : i32
        %ne3A_614 = arith.constant 0 : i32
        %ne3A_615 = arith.cmpi ne, %rem3A_613, %ne3A_614 : i32
        %lt3A_616 = arith.constant 0 : i32
        %lt3A_617 = arith.cmpi slt, %rem3A_613, %lt3A_616 : i32
        %lt3A_618 = arith.constant 0 : i32
        %lt3A_619 = arith.cmpi slt, %select_n3A_612, %lt3A_618 : i32
        %ne3A_620 = arith.xori %lt3A_617, %lt3A_619 : i1
        %and3A_621 = arith.andi %ne3A_620, %ne3A_615 : i1
        %add3A_622 = arith.addi %rem3A_613, %select_n3A_612 : i32
        %select_n3A_623 = arith.select %and3A_621, %add3A_622, %rem3A_613 : i32
        %mul3A_624 = arith.constant 16 : i32
        %mul3A_625 = arith.muli %select_n3A_623, %mul3A_624 : i32
        %get3A_626 = arith.index_cast %select_n3A_607 : i32 to index
        %get3A_627 = arith.index_cast %mul3A_625 : i32 to index
        %get3A_628 = tpu.vector_load %arg8[%get3A_626, %get3A_627] {strides = array<i32>} : memref<4x4096xf32, #tpu.memory_space<vmem>>, vector<1x16xf32>,
        %get3A_629 = vector.shape_cast %get3A_628 : vector<1x16xf32> to vector<16xf32>
        %get3A_630 = arith.index_cast %select_n3A_607 : i32 to index
        %get3A_631 = arith.index_cast %mul3A_625 : i32 to index
        %get3A_632 = tpu.vector_load %arg5[%get3A_630, %get3A_631] {strides = array<i32>} : memref<4x4096xf32, #tpu.memory_space<vmem>>, vector<1x16xf32>,
        %get3A_633 = vector.shape_cast %get3A_632 : vector<1x16xf32> to vector<16xf32>
        %add3A_634 = arith.addf %get3A_629, %get3A_633 : vector<16xf32>
        %swap3A_635 = arith.index_cast %select_n3A_607 : i32 to index
        %swap3A_636 = arith.index_cast %mul3A_625 : i32 to index
        %swap3A_637 = tpu.vector_load %arg8[%swap3A_635, %swap3A_636] {strides = array<i32>} : memref<4x4096xf32, #tpu.memory_space<vmem>>, vector<1x16xf32>,
        %swap3A_638 = vector.shape_cast %swap3A_637 : vector<1x16xf32> to vector<16xf32>
        %swap3A_639 = vector.shape_cast %add3A_634 : vector<16xf32> to vector<1x16xf32>
        tpu.vector_store %arg8[%swap3A_635, %swap3A_636], %swap3A_639 {strides = array<i32>} : memref<4x4096xf32, #tpu.memory_space<vmem>>, vector<1x16xf32>,
        %mul3A_640 = arith.constant 8 : i32
        %mul3A_641 = arith.muli %scan3A_229, %mul3A_640 : i32
        %add3A_642 = arith.constant 7 : i32
        %add3A_643 = arith.addi %mul3A_641, %add3A_642 : i32
        %jit3A_644 = arith.constant 256 : i32
        %div3A_645 = arith.divsi %add3A_643, %jit3A_644 : i32
        %sign3A_646 = arith.constant 0 : i32
        %sign3A_647 = arith.cmpi sgt, %add3A_643, %sign3A_646 : i32
        %sign3A_648 = arith.extui %sign3A_647 : i1 to i32
        %sign3A_649 = arith.constant 0 : i32
        %sign3A_650 = arith.cmpi slt, %add3A_643, %sign3A_649 : i32
        %sign3A_651 = arith.extui %sign3A_650 : i1 to i32
        %sign3A_652 = arith.subi %sign3A_648, %sign3A_651 : i32
        %sign3A_653 = arith.constant 0 : i32
        %sign3A_654 = arith.cmpi sgt, %jit3A_644, %sign3A_653 : i32
        %sign3A_655 = arith.extui %sign3A_654 : i1 to i32
        %sign3A_656 = arith.constant 0 : i32
        %sign3A_657 = arith.cmpi slt, %jit3A_644, %sign3A_656 : i32
        %sign3A_658 = arith.extui %sign3A_657 : i1 to i32
        %sign3A_659 = arith.subi %sign3A_655, %sign3A_658 : i32
        %ne3A_660 = arith.cmpi ne, %sign3A_652, %sign3A_659 : i32
        %rem3A_661 = arith.remsi %add3A_643, %jit3A_644 : i32
        %ne3A_662 = arith.constant 0 : i32
        %ne3A_663 = arith.cmpi ne, %rem3A_661, %ne3A_662 : i32
        %and3A_664 = arith.andi %ne3A_660, %ne3A_663 : i1
        %sub3A_665 = arith.constant 1 : i32
        %sub3A_666 = arith.subi %div3A_645, %sub3A_665 : i32
        %select_n3A_667 = arith.select %and3A_664, %sub3A_666, %div3A_645 : i32
        %jit3A_668 = arith.constant 256 : i32
        %eq3A_669 = arith.constant 0 : i32
        %eq3A_670 = arith.cmpi eq, %jit3A_668, %eq3A_669 : i32
        %jit3A_671 = arith.constant 1 : i32
        %select_n3A_672 = arith.select %eq3A_670, %jit3A_671, %jit3A_668 : i32
        %rem3A_673 = arith.remsi %add3A_643, %select_n3A_672 : i32
        %ne3A_674 = arith.constant 0 : i32
        %ne3A_675 = arith.cmpi ne, %rem3A_673, %ne3A_674 : i32
        %lt3A_676 = arith.constant 0 : i32
        %lt3A_677 = arith.cmpi slt, %rem3A_673, %lt3A_676 : i32
        %lt3A_678 = arith.constant 0 : i32
        %lt3A_679 = arith.cmpi slt, %select_n3A_672, %lt3A_678 : i32
        %ne3A_680 = arith.xori %lt3A_677, %lt3A_679 : i1
        %and3A_681 = arith.andi %ne3A_680, %ne3A_675 : i1
        %add3A_682 = arith.addi %rem3A_673, %select_n3A_672 : i32
        %select_n3A_683 = arith.select %and3A_681, %add3A_682, %rem3A_673 : i32
        %mul3A_684 = arith.constant 16 : i32
        %mul3A_685 = arith.muli %select_n3A_683, %mul3A_684 : i32
        %get3A_686 = arith.index_cast %select_n3A_667 : i32 to index
        %get3A_687 = arith.index_cast %mul3A_685 : i32 to index
        %get3A_688 = tpu.vector_load %arg8[%get3A_686, %get3A_687] {strides = array<i32>} : memref<4x4096xf32, #tpu.memory_space<vmem>>, vector<1x16xf32>,
        %get3A_689 = vector.shape_cast %get3A_688 : vector<1x16xf32> to vector<16xf32>
        %get3A_690 = arith.index_cast %select_n3A_667 : i32 to index
        %get3A_691 = arith.index_cast %mul3A_685 : i32 to index
        %get3A_692 = tpu.vector_load %arg5[%get3A_690, %get3A_691] {strides = array<i32>} : memref<4x4096xf32, #tpu.memory_space<vmem>>, vector<1x16xf32>,
        %get3A_693 = vector.shape_cast %get3A_692 : vector<1x16xf32> to vector<16xf32>
        %add3A_694 = arith.addf %get3A_689, %get3A_693 : vector<16xf32>
        %swap3A_695 = arith.index_cast %select_n3A_667 : i32 to index
        %swap3A_696 = arith.index_cast %mul3A_685 : i32 to index
        %swap3A_697 = tpu.vector_load %arg8[%swap3A_695, %swap3A_696] {strides = array<i32>} : memref<4x4096xf32, #tpu.memory_space<vmem>>, vector<1x16xf32>,
        %swap3A_698 = vector.shape_cast %swap3A_697 : vector<1x16xf32> to vector<16xf32>
        %swap3A_699 = vector.shape_cast %add3A_694 : vector<16xf32> to vector<1x16xf32>
        tpu.vector_store %arg8[%swap3A_695, %swap3A_696], %swap3A_699 {strides = array<i32>} : memref<4x4096xf32, #tpu.memory_space<vmem>>, vector<1x16xf32>,
        %scan3A_700 = arith.constant 0 : i32
        scf.yield %scan3A_700 : i32
      }
      %scan3A_128 = arith.constant 128 : i32
      %mul3A_129 = arith.constant 4 : i32
      %mul3A_130 = arith.muli %add3A_100, %mul3A_129 : i32
      %add3A_131 = arith.addi %mul3A_2, %mul3A_130 : i32
      %dma_start3A_132 = arith.constant 0 : i32
      %dma_start3A_133 = arith.constant 0 : i32
      %dma_start3A_134 = tpu.memref_slice %arg4[%dma_start3A_132, %add3A_131, %dma_start3A_133] : memref<1x8192x4096xf32, #tpu.memory_space<hbm>> -> memref<1x4x4096xf32, #tpu.memory_space<hbm>>
      %dma_start3A_135 = tpu.memref_squeeze %dma_start3A_134 : memref<1x4x4096xf32, #tpu.memory_space<hbm>> -> memref<4x4096xf32, #tpu.memory_space<hbm>>
      %dma_start3A_136 = arith.constant 0 : i32
      %dma_start3A_137 = tpu.memref_slice %arg4[%dma_start3A_132, %add3A_131, %dma_start3A_136] : memref<1x8192x4096xf32, #tpu.memory_space<hbm>> -> memref<1x4x4096xf32, #tpu.memory_space<hbm>>
      %dma_start3A_138 = tpu.memref_squeeze %dma_start3A_137 : memref<1x4x4096xf32, #tpu.memory_space<hbm>> -> memref<4x4096xf32, #tpu.memory_space<hbm>>
      tpu.enqueue_dma source(%arg8 : memref<4x4096xf32, #tpu.memory_space<vmem>>) target(%dma_start3A_138 : memref<4x4096xf32, #tpu.memory_space<hbm>>) target_semaphore(%arg17 : memref<!tpu.dma_semaphore, #tpu.memory_space<semaphore_mem>>)
      %mul3A_139 = arith.constant 3 : i32
      %mul3A_140 = arith.muli %scan3A_95, %mul3A_139 : i32
      %add3A_141 = arith.constant 1 : i32
      %add3A_142 = arith.addi %mul3A_140, %add3A_141 : i32
      %add3A_143 = arith.constant 2 : i32
      %add3A_144 = arith.addi %add3A_142, %add3A_143 : i32
      %lt3A = arith.constant 64 : i32
      %lt3A_145 = arith.cmpi slt, %add3A_144, %lt3A : i32
      %convert_element_type3A_146 = arith.extui %lt3A_145 : i1 to i32
      %cond3A_147 = arith.constant 0 : i32
      %cond3A_148 = arith.cmpi ne, %convert_element_type3A_146, %cond3A_147 : i32
      scf.if %cond3A_148 {
        %mul3A_229 = arith.constant 4 : i32
        %mul3A_230 = arith.muli %add3A_144, %mul3A_229 : i32
        %add3A_231 = arith.addi %mul3A_2, %mul3A_230 : i32
        %dma_wait3A_232 = arith.constant 0 : i32
        %dma_wait3A_233 = arith.constant 0 : i32
        %dma_wait3A_234 = tpu.memref_slice %arg4[%dma_wait3A_232, %add3A_231, %dma_wait3A_233] : memref<1x8192x4096xf32, #tpu.memory_space<hbm>> -> memref<1x4x4096xf32, #tpu.memory_space<hbm>>
        %dma_wait3A_235 = tpu.memref_squeeze %dma_wait3A_234 : memref<1x4x4096xf32, #tpu.memory_space<hbm>> -> memref<4x4096xf32, #tpu.memory_space<hbm>>
        %dma_wait3A_236 = arith.constant 0 : i32
        %dma_wait3A_237 = tpu.memref_slice %arg4[%dma_wait3A_232, %add3A_231, %dma_wait3A_236] : memref<1x8192x4096xf32, #tpu.memory_space<hbm>> -> memref<1x4x4096xf32, #tpu.memory_space<hbm>>
        %dma_wait3A_238 = tpu.memref_squeeze %dma_wait3A_237 : memref<1x4x4096xf32, #tpu.memory_space<hbm>> -> memref<4x4096xf32, #tpu.memory_space<hbm>>
        tpu.wait_dma2 semaphore(%arg17 : memref<!tpu.dma_semaphore, #tpu.memory_space<semaphore_mem>>) src(%arg8 : memref<4x4096xf32, #tpu.memory_space<vmem>>) dst(%dma_wait3A_238 : memref<4x4096xf32, #tpu.memory_space<hbm>>)
        %mul3A_239 = arith.constant 4 : i32
        %mul3A_240 = arith.muli %add3A_144, %mul3A_239 : i32
        %add3A_241 = arith.addi %mul3A_2, %mul3A_240 : i32
        %dma_start3A_242 = arith.constant 0 : i32
        %dma_start3A_243 = tpu.memref_slice %arg3[%add3A_241, %dma_start3A_242] : memref<8192x4096xf32, #tpu.memory_space<hbm>> -> memref<4x4096xf32, #tpu.memory_space<hbm>>
        %dma_start3A_244 = arith.constant 0 : i32
        %dma_start3A_245 = tpu.memref_slice %arg3[%add3A_241, %dma_start3A_244] : memref<8192x4096xf32, #tpu.memory_space<hbm>> -> memref<4x4096xf32, #tpu.memory_space<hbm>>
        tpu.enqueue_dma source(%dma_start3A_245 : memref<4x4096xf32, #tpu.memory_space<hbm>>) target(%arg5 : memref<4x4096xf32, #tpu.memory_space<vmem>>) target_semaphore(%arg11 : memref<!tpu.dma_semaphore, #tpu.memory_space<semaphore_mem>>)
        %mul3A_246 = arith.constant 4 : i32
        %mul3A_247 = arith.muli %add3A_144, %mul3A_246 : i32
        %add3A_248 = arith.addi %mul3A_2, %mul3A_247 : i32
        %dma_start3A_249 = arith.constant 3 : i32
        %dma_start3A_250 = arith.constant 0 : i32
        %dma_start3A_251 = tpu.memref_slice %arg2[%dma_start3A_249, %add3A_248, %dma_start3A_250] : memref<4x8192x4096xf32, #tpu.memory_space<hbm>> -> memref<1x4x4096xf32, #tpu.memory_space<hbm>>
        %dma_start3A_252 = tpu.memref_squeeze %dma_start3A_251 : memref<1x4x4096xf32, #tpu.memory_space<hbm>> -> memref<4x4096xf32, #tpu.memory_space<hbm>>
        %dma_start3A_253 = arith.constant 0 : i32
        %dma_start3A_254 = tpu.memref_slice %arg2[%dma_start3A_249, %add3A_248, %dma_start3A_253] : memref<4x8192x4096xf32, #tpu.memory_space<hbm>> -> memref<1x4x4096xf32, #tpu.memory_space<hbm>>
        %dma_start3A_255 = tpu.memref_squeeze %dma_start3A_254 : memref<1x4x4096xf32, #tpu.memory_space<hbm>> -> memref<4x4096xf32, #tpu.memory_space<hbm>>
        tpu.enqueue_dma source(%dma_start3A_255 : memref<4x4096xf32, #tpu.memory_space<hbm>>) target(%arg8 : memref<4x4096xf32, #tpu.memory_space<vmem>>) target_semaphore(%arg14 : memref<!tpu.dma_semaphore, #tpu.memory_space<semaphore_mem>>)
      } else {
      }
      %mul3A_149 = arith.constant 4 : i32
      %mul3A_150 = arith.muli %add3A_142, %mul3A_149 : i32
      %add3A_151 = arith.addi %mul3A_2, %mul3A_150 : i32
      %dma_wait3A_152 = arith.constant 0 : i32
      %dma_wait3A_153 = tpu.memref_slice %arg3[%add3A_151, %dma_wait3A_152] : memref<8192x4096xf32, #tpu.memory_space<hbm>> -> memref<4x4096xf32, #tpu.memory_space<hbm>>
      %dma_wait3A_154 = arith.constant 0 : i32
      %dma_wait3A_155 = tpu.memref_slice %arg3[%add3A_151, %dma_wait3A_154] : memref<8192x4096xf32, #tpu.memory_space<hbm>> -> memref<4x4096xf32, #tpu.memory_space<hbm>>
      tpu.wait_dma2 semaphore(%arg12 : memref<!tpu.dma_semaphore, #tpu.memory_space<semaphore_mem>>) src(%dma_wait3A_155 : memref<4x4096xf32, #tpu.memory_space<hbm>>) dst(%arg6 : memref<4x4096xf32, #tpu.memory_space<vmem>>)
      %mul3A_156 = arith.constant 4 : i32
      %mul3A_157 = arith.muli %add3A_142, %mul3A_156 : i32
      %add3A_158 = arith.addi %mul3A_2, %mul3A_157 : i32
      %dma_wait3A_159 = arith.constant 3 : i32
      %dma_wait3A_160 = arith.constant 0 : i32
      %dma_wait3A_161 = tpu.memref_slice %arg2[%dma_wait3A_159, %add3A_158, %dma_wait3A_160] : memref<4x8192x4096xf32, #tpu.memory_space<hbm>> -> memref<1x4x4096xf32, #tpu.memory_space<hbm>>
      %dma_wait3A_162 = tpu.memref_squeeze %dma_wait3A_161 : memref<1x4x4096xf32, #tpu.memory_space<hbm>> -> memref<4x4096xf32, #tpu.memory_space<hbm>>
      %dma_wait3A_163 = arith.constant 0 : i32
      %dma_wait3A_164 = tpu.memref_slice %arg2[%dma_wait3A_159, %add3A_158, %dma_wait3A_163] : memref<4x8192x4096xf32, #tpu.memory_space<hbm>> -> memref<1x4x4096xf32, #tpu.memory_space<hbm>>
      %dma_wait3A_165 = tpu.memref_squeeze %dma_wait3A_164 : memref<1x4x4096xf32, #tpu.memory_space<hbm>> -> memref<4x4096xf32, #tpu.memory_space<hbm>>
      tpu.wait_dma2 semaphore(%arg15 : memref<!tpu.dma_semaphore, #tpu.memory_space<semaphore_mem>>) src(%dma_wait3A_165 : memref<4x4096xf32, #tpu.memory_space<hbm>>) dst(%arg9 : memref<4x4096xf32, #tpu.memory_space<vmem>>)
      %scan3A_166 = arith.constant 0 : i32
      %scan3A_167 = arith.constant 0 : i32
      %scan3A_168 = arith.constant 128 : i32
      %scan3A_169 = arith.addi %scan3A_167, %scan3A_168 : i32
      %scan3A_170 = arith.constant 1 : i32
      %scan3A_171 = scf.for %scan3A_229 = %scan3A_167 to %scan3A_169 step %scan3A_170 iter_args(%scan3A_230 = %scan3A_166) -> (i32)  : i32 {
        %mul3A_231 = arith.constant 8 : i32
        %mul3A_232 = arith.muli %scan3A_229, %mul3A_231 : i32
        %add3A_233 = arith.constant 0 : i32
        %add3A_234 = arith.addi %mul3A_232, %add3A_233 : i32
        %jit3A = arith.constant 256 : i32
        %div3A = arith.divsi %add3A_234, %jit3A : i32
        %sign3A = arith.constant 0 : i32
        %sign3A_235 = arith.cmpi sgt, %add3A_234, %sign3A : i32
        %sign3A_236 = arith.extui %sign3A_235 : i1 to i32
        %sign3A_237 = arith.constant 0 : i32
        %sign3A_238 = arith.cmpi slt, %add3A_234, %sign3A_237 : i32
        %sign3A_239 = arith.extui %sign3A_238 : i1 to i32
        %sign3A_240 = arith.subi %sign3A_236, %sign3A_239 : i32
        %sign3A_241 = arith.constant 0 : i32
        %sign3A_242 = arith.cmpi sgt, %jit3A, %sign3A_241 : i32
        %sign3A_243 = arith.extui %sign3A_242 : i1 to i32
        %sign3A_244 = arith.constant 0 : i32
        %sign3A_245 = arith.cmpi slt, %jit3A, %sign3A_244 : i32
        %sign3A_246 = arith.extui %sign3A_245 : i1 to i32
        %sign3A_247 = arith.subi %sign3A_243, %sign3A_246 : i32
        %ne3A = arith.cmpi ne, %sign3A_240, %sign3A_247 : i32
        %rem3A = arith.remsi %add3A_234, %jit3A : i32
        %ne3A_248 = arith.constant 0 : i32
        %ne3A_249 = arith.cmpi ne, %rem3A, %ne3A_248 : i32
        %and3A = arith.andi %ne3A, %ne3A_249 : i1
        %sub3A = arith.constant 1 : i32
        %sub3A_250 = arith.subi %div3A, %sub3A : i32
        %select_n3A = arith.select %and3A, %sub3A_250, %div3A : i32
        %jit3A_251 = arith.constant 256 : i32
        %eq3A = arith.constant 0 : i32
        %eq3A_252 = arith.cmpi eq, %jit3A_251, %eq3A : i32
        %jit3A_253 = arith.constant 1 : i32
        %select_n3A_254 = arith.select %eq3A_252, %jit3A_253, %jit3A_251 : i32
        %rem3A_255 = arith.remsi %add3A_234, %select_n3A_254 : i32
        %ne3A_256 = arith.constant 0 : i32
        %ne3A_257 = arith.cmpi ne, %rem3A_255, %ne3A_256 : i32
        %lt3A_258 = arith.constant 0 : i32
        %lt3A_259 = arith.cmpi slt, %rem3A_255, %lt3A_258 : i32
        %lt3A_260 = arith.constant 0 : i32
        %lt3A_261 = arith.cmpi slt, %select_n3A_254, %lt3A_260 : i32
        %ne3A_262 = arith.xori %lt3A_259, %lt3A_261 : i1
        %and3A_263 = arith.andi %ne3A_262, %ne3A_257 : i1
        %add3A_264 = arith.addi %rem3A_255, %select_n3A_254 : i32
        %select_n3A_265 = arith.select %and3A_263, %add3A_264, %rem3A_255 : i32
        %mul3A_266 = arith.constant 16 : i32
        %mul3A_267 = arith.muli %select_n3A_265, %mul3A_266 : i32
        %get3A = arith.index_cast %select_n3A : i32 to index
        %get3A_268 = arith.index_cast %mul3A_267 : i32 to index
        %get3A_269 = tpu.vector_load %arg9[%get3A, %get3A_268] {strides = array<i32>} : memref<4x4096xf32, #tpu.memory_space<vmem>>, vector<1x16xf32>,
        %get3A_270 = vector.shape_cast %get3A_269 : vector<1x16xf32> to vector<16xf32>
        %get3A_271 = arith.index_cast %select_n3A : i32 to index
        %get3A_272 = arith.index_cast %mul3A_267 : i32 to index
        %get3A_273 = tpu.vector_load %arg6[%get3A_271, %get3A_272] {strides = array<i32>} : memref<4x4096xf32, #tpu.memory_space<vmem>>, vector<1x16xf32>,
        %get3A_274 = vector.shape_cast %get3A_273 : vector<1x16xf32> to vector<16xf32>
        %add3A_275 = arith.addf %get3A_270, %get3A_274 : vector<16xf32>
        %swap3A = arith.index_cast %select_n3A : i32 to index
        %swap3A_276 = arith.index_cast %mul3A_267 : i32 to index
        %swap3A_277 = tpu.vector_load %arg9[%swap3A, %swap3A_276] {strides = array<i32>} : memref<4x4096xf32, #tpu.memory_space<vmem>>, vector<1x16xf32>,
        %swap3A_278 = vector.shape_cast %swap3A_277 : vector<1x16xf32> to vector<16xf32>
        %swap3A_279 = vector.shape_cast %add3A_275 : vector<16xf32> to vector<1x16xf32>
        tpu.vector_store %arg9[%swap3A, %swap3A_276], %swap3A_279 {strides = array<i32>} : memref<4x4096xf32, #tpu.memory_space<vmem>>, vector<1x16xf32>,
        %mul3A_280 = arith.constant 8 : i32
        %mul3A_281 = arith.muli %scan3A_229, %mul3A_280 : i32
        %add3A_282 = arith.constant 1 : i32
        %add3A_283 = arith.addi %mul3A_281, %add3A_282 : i32
        %jit3A_284 = arith.constant 256 : i32
        %div3A_285 = arith.divsi %add3A_283, %jit3A_284 : i32
        %sign3A_286 = arith.constant 0 : i32
        %sign3A_287 = arith.cmpi sgt, %add3A_283, %sign3A_286 : i32
        %sign3A_288 = arith.extui %sign3A_287 : i1 to i32
        %sign3A_289 = arith.constant 0 : i32
        %sign3A_290 = arith.cmpi slt, %add3A_283, %sign3A_289 : i32
        %sign3A_291 = arith.extui %sign3A_290 : i1 to i32
        %sign3A_292 = arith.subi %sign3A_288, %sign3A_291 : i32
        %sign3A_293 = arith.constant 0 : i32
        %sign3A_294 = arith.cmpi sgt, %jit3A_284, %sign3A_293 : i32
        %sign3A_295 = arith.extui %sign3A_294 : i1 to i32
        %sign3A_296 = arith.constant 0 : i32
        %sign3A_297 = arith.cmpi slt, %jit3A_284, %sign3A_296 : i32
        %sign3A_298 = arith.extui %sign3A_297 : i1 to i32
        %sign3A_299 = arith.subi %sign3A_295, %sign3A_298 : i32
        %ne3A_300 = arith.cmpi ne, %sign3A_292, %sign3A_299 : i32
        %rem3A_301 = arith.remsi %add3A_283, %jit3A_284 : i32
        %ne3A_302 = arith.constant 0 : i32
        %ne3A_303 = arith.cmpi ne, %rem3A_301, %ne3A_302 : i32
        %and3A_304 = arith.andi %ne3A_300, %ne3A_303 : i1
        %sub3A_305 = arith.constant 1 : i32
        %sub3A_306 = arith.subi %div3A_285, %sub3A_305 : i32
        %select_n3A_307 = arith.select %and3A_304, %sub3A_306, %div3A_285 : i32
        %jit3A_308 = arith.constant 256 : i32
        %eq3A_309 = arith.constant 0 : i32
        %eq3A_310 = arith.cmpi eq, %jit3A_308, %eq3A_309 : i32
        %jit3A_311 = arith.constant 1 : i32
        %select_n3A_312 = arith.select %eq3A_310, %jit3A_311, %jit3A_308 : i32
        %rem3A_313 = arith.remsi %add3A_283, %select_n3A_312 : i32
        %ne3A_314 = arith.constant 0 : i32
        %ne3A_315 = arith.cmpi ne, %rem3A_313, %ne3A_314 : i32
        %lt3A_316 = arith.constant 0 : i32
        %lt3A_317 = arith.cmpi slt, %rem3A_313, %lt3A_316 : i32
        %lt3A_318 = arith.constant 0 : i32
        %lt3A_319 = arith.cmpi slt, %select_n3A_312, %lt3A_318 : i32
        %ne3A_320 = arith.xori %lt3A_317, %lt3A_319 : i1
        %and3A_321 = arith.andi %ne3A_320, %ne3A_315 : i1
        %add3A_322 = arith.addi %rem3A_313, %select_n3A_312 : i32
        %select_n3A_323 = arith.select %and3A_321, %add3A_322, %rem3A_313 : i32
        %mul3A_324 = arith.constant 16 : i32
        %mul3A_325 = arith.muli %select_n3A_323, %mul3A_324 : i32
        %get3A_326 = arith.index_cast %select_n3A_307 : i32 to index
        %get3A_327 = arith.index_cast %mul3A_325 : i32 to index
        %get3A_328 = tpu.vector_load %arg9[%get3A_326, %get3A_327] {strides = array<i32>} : memref<4x4096xf32, #tpu.memory_space<vmem>>, vector<1x16xf32>,
        %get3A_329 = vector.shape_cast %get3A_328 : vector<1x16xf32> to vector<16xf32>
        %get3A_330 = arith.index_cast %select_n3A_307 : i32 to index
        %get3A_331 = arith.index_cast %mul3A_325 : i32 to index
        %get3A_332 = tpu.vector_load %arg6[%get3A_330, %get3A_331] {strides = array<i32>} : memref<4x4096xf32, #tpu.memory_space<vmem>>, vector<1x16xf32>,
        %get3A_333 = vector.shape_cast %get3A_332 : vector<1x16xf32> to vector<16xf32>
        %add3A_334 = arith.addf %get3A_329, %get3A_333 : vector<16xf32>
        %swap3A_335 = arith.index_cast %select_n3A_307 : i32 to index
        %swap3A_336 = arith.index_cast %mul3A_325 : i32 to index
        %swap3A_337 = tpu.vector_load %arg9[%swap3A_335, %swap3A_336] {strides = array<i32>} : memref<4x4096xf32, #tpu.memory_space<vmem>>, vector<1x16xf32>,
        %swap3A_338 = vector.shape_cast %swap3A_337 : vector<1x16xf32> to vector<16xf32>
        %swap3A_339 = vector.shape_cast %add3A_334 : vector<16xf32> to vector<1x16xf32>
        tpu.vector_store %arg9[%swap3A_335, %swap3A_336], %swap3A_339 {strides = array<i32>} : memref<4x4096xf32, #tpu.memory_space<vmem>>, vector<1x16xf32>,
        %mul3A_340 = arith.constant 8 : i32
        %mul3A_341 = arith.muli %scan3A_229, %mul3A_340 : i32
        %add3A_342 = arith.constant 2 : i32
        %add3A_343 = arith.addi %mul3A_341, %add3A_342 : i32
        %jit3A_344 = arith.constant 256 : i32
        %div3A_345 = arith.divsi %add3A_343, %jit3A_344 : i32
        %sign3A_346 = arith.constant 0 : i32
        %sign3A_347 = arith.cmpi sgt, %add3A_343, %sign3A_346 : i32
        %sign3A_348 = arith.extui %sign3A_347 : i1 to i32
        %sign3A_349 = arith.constant 0 : i32
        %sign3A_350 = arith.cmpi slt, %add3A_343, %sign3A_349 : i32
        %sign3A_351 = arith.extui %sign3A_350 : i1 to i32
        %sign3A_352 = arith.subi %sign3A_348, %sign3A_351 : i32
        %sign3A_353 = arith.constant 0 : i32
        %sign3A_354 = arith.cmpi sgt, %jit3A_344, %sign3A_353 : i32
        %sign3A_355 = arith.extui %sign3A_354 : i1 to i32
        %sign3A_356 = arith.constant 0 : i32
        %sign3A_357 = arith.cmpi slt, %jit3A_344, %sign3A_356 : i32
        %sign3A_358 = arith.extui %sign3A_357 : i1 to i32
        %sign3A_359 = arith.subi %sign3A_355, %sign3A_358 : i32
        %ne3A_360 = arith.cmpi ne, %sign3A_352, %sign3A_359 : i32
        %rem3A_361 = arith.remsi %add3A_343, %jit3A_344 : i32
        %ne3A_362 = arith.constant 0 : i32
        %ne3A_363 = arith.cmpi ne, %rem3A_361, %ne3A_362 : i32
        %and3A_364 = arith.andi %ne3A_360, %ne3A_363 : i1
        %sub3A_365 = arith.constant 1 : i32
        %sub3A_366 = arith.subi %div3A_345, %sub3A_365 : i32
        %select_n3A_367 = arith.select %and3A_364, %sub3A_366, %div3A_345 : i32
        %jit3A_368 = arith.constant 256 : i32
        %eq3A_369 = arith.constant 0 : i32
        %eq3A_370 = arith.cmpi eq, %jit3A_368, %eq3A_369 : i32
        %jit3A_371 = arith.constant 1 : i32
        %select_n3A_372 = arith.select %eq3A_370, %jit3A_371, %jit3A_368 : i32
        %rem3A_373 = arith.remsi %add3A_343, %select_n3A_372 : i32
        %ne3A_374 = arith.constant 0 : i32
        %ne3A_375 = arith.cmpi ne, %rem3A_373, %ne3A_374 : i32
        %lt3A_376 = arith.constant 0 : i32
        %lt3A_377 = arith.cmpi slt, %rem3A_373, %lt3A_376 : i32
        %lt3A_378 = arith.constant 0 : i32
        %lt3A_379 = arith.cmpi slt, %select_n3A_372, %lt3A_378 : i32
        %ne3A_380 = arith.xori %lt3A_377, %lt3A_379 : i1
        %and3A_381 = arith.andi %ne3A_380, %ne3A_375 : i1
        %add3A_382 = arith.addi %rem3A_373, %select_n3A_372 : i32
        %select_n3A_383 = arith.select %and3A_381, %add3A_382, %rem3A_373 : i32
        %mul3A_384 = arith.constant 16 : i32
        %mul3A_385 = arith.muli %select_n3A_383, %mul3A_384 : i32
        %get3A_386 = arith.index_cast %select_n3A_367 : i32 to index
        %get3A_387 = arith.index_cast %mul3A_385 : i32 to index
        %get3A_388 = tpu.vector_load %arg9[%get3A_386, %get3A_387] {strides = array<i32>} : memref<4x4096xf32, #tpu.memory_space<vmem>>, vector<1x16xf32>,
        %get3A_389 = vector.shape_cast %get3A_388 : vector<1x16xf32> to vector<16xf32>
        %get3A_390 = arith.index_cast %select_n3A_367 : i32 to index
        %get3A_391 = arith.index_cast %mul3A_385 : i32 to index
        %get3A_392 = tpu.vector_load %arg6[%get3A_390, %get3A_391] {strides = array<i32>} : memref<4x4096xf32, #tpu.memory_space<vmem>>, vector<1x16xf32>,
        %get3A_393 = vector.shape_cast %get3A_392 : vector<1x16xf32> to vector<16xf32>
        %add3A_394 = arith.addf %get3A_389, %get3A_393 : vector<16xf32>
        %swap3A_395 = arith.index_cast %select_n3A_367 : i32 to index
        %swap3A_396 = arith.index_cast %mul3A_385 : i32 to index
        %swap3A_397 = tpu.vector_load %arg9[%swap3A_395, %swap3A_396] {strides = array<i32>} : memref<4x4096xf32, #tpu.memory_space<vmem>>, vector<1x16xf32>,
        %swap3A_398 = vector.shape_cast %swap3A_397 : vector<1x16xf32> to vector<16xf32>
        %swap3A_399 = vector.shape_cast %add3A_394 : vector<16xf32> to vector<1x16xf32>
        tpu.vector_store %arg9[%swap3A_395, %swap3A_396], %swap3A_399 {strides = array<i32>} : memref<4x4096xf32, #tpu.memory_space<vmem>>, vector<1x16xf32>,
        %mul3A_400 = arith.constant 8 : i32
        %mul3A_401 = arith.muli %scan3A_229, %mul3A_400 : i32
        %add3A_402 = arith.constant 3 : i32
        %add3A_403 = arith.addi %mul3A_401, %add3A_402 : i32
        %jit3A_404 = arith.constant 256 : i32
        %div3A_405 = arith.divsi %add3A_403, %jit3A_404 : i32
        %sign3A_406 = arith.constant 0 : i32
        %sign3A_407 = arith.cmpi sgt, %add3A_403, %sign3A_406 : i32
        %sign3A_408 = arith.extui %sign3A_407 : i1 to i32
        %sign3A_409 = arith.constant 0 : i32
        %sign3A_410 = arith.cmpi slt, %add3A_403, %sign3A_409 : i32
        %sign3A_411 = arith.extui %sign3A_410 : i1 to i32
        %sign3A_412 = arith.subi %sign3A_408, %sign3A_411 : i32
        %sign3A_413 = arith.constant 0 : i32
        %sign3A_414 = arith.cmpi sgt, %jit3A_404, %sign3A_413 : i32
        %sign3A_415 = arith.extui %sign3A_414 : i1 to i32
        %sign3A_416 = arith.constant 0 : i32
        %sign3A_417 = arith.cmpi slt, %jit3A_404, %sign3A_416 : i32
        %sign3A_418 = arith.extui %sign3A_417 : i1 to i32
        %sign3A_419 = arith.subi %sign3A_415, %sign3A_418 : i32
        %ne3A_420 = arith.cmpi ne, %sign3A_412, %sign3A_419 : i32
        %rem3A_421 = arith.remsi %add3A_403, %jit3A_404 : i32
        %ne3A_422 = arith.constant 0 : i32
        %ne3A_423 = arith.cmpi ne, %rem3A_421, %ne3A_422 : i32
        %and3A_424 = arith.andi %ne3A_420, %ne3A_423 : i1
        %sub3A_425 = arith.constant 1 : i32
        %sub3A_426 = arith.subi %div3A_405, %sub3A_425 : i32
        %select_n3A_427 = arith.select %and3A_424, %sub3A_426, %div3A_405 : i32
        %jit3A_428 = arith.constant 256 : i32
        %eq3A_429 = arith.constant 0 : i32
        %eq3A_430 = arith.cmpi eq, %jit3A_428, %eq3A_429 : i32
        %jit3A_431 = arith.constant 1 : i32
        %select_n3A_432 = arith.select %eq3A_430, %jit3A_431, %jit3A_428 : i32
        %rem3A_433 = arith.remsi %add3A_403, %select_n3A_432 : i32
        %ne3A_434 = arith.constant 0 : i32
        %ne3A_435 = arith.cmpi ne, %rem3A_433, %ne3A_434 : i32
        %lt3A_436 = arith.constant 0 : i32
        %lt3A_437 = arith.cmpi slt, %rem3A_433, %lt3A_436 : i32
        %lt3A_438 = arith.constant 0 : i32
        %lt3A_439 = arith.cmpi slt, %select_n3A_432, %lt3A_438 : i32
        %ne3A_440 = arith.xori %lt3A_437, %lt3A_439 : i1
        %and3A_441 = arith.andi %ne3A_440, %ne3A_435 : i1
        %add3A_442 = arith.addi %rem3A_433, %select_n3A_432 : i32
        %select_n3A_443 = arith.select %and3A_441, %add3A_442, %rem3A_433 : i32
        %mul3A_444 = arith.constant 16 : i32
        %mul3A_445 = arith.muli %select_n3A_443, %mul3A_444 : i32
        %get3A_446 = arith.index_cast %select_n3A_427 : i32 to index
        %get3A_447 = arith.index_cast %mul3A_445 : i32 to index
        %get3A_448 = tpu.vector_load %arg9[%get3A_446, %get3A_447] {strides = array<i32>} : memref<4x4096xf32, #tpu.memory_space<vmem>>, vector<1x16xf32>,
        %get3A_449 = vector.shape_cast %get3A_448 : vector<1x16xf32> to vector<16xf32>
        %get3A_450 = arith.index_cast %select_n3A_427 : i32 to index
        %get3A_451 = arith.index_cast %mul3A_445 : i32 to index
        %get3A_452 = tpu.vector_load %arg6[%get3A_450, %get3A_451] {strides = array<i32>} : memref<4x4096xf32, #tpu.memory_space<vmem>>, vector<1x16xf32>,
        %get3A_453 = vector.shape_cast %get3A_452 : vector<1x16xf32> to vector<16xf32>
        %add3A_454 = arith.addf %get3A_449, %get3A_453 : vector<16xf32>
        %swap3A_455 = arith.index_cast %select_n3A_427 : i32 to index
        %swap3A_456 = arith.index_cast %mul3A_445 : i32 to index
        %swap3A_457 = tpu.vector_load %arg9[%swap3A_455, %swap3A_456] {strides = array<i32>} : memref<4x4096xf32, #tpu.memory_space<vmem>>, vector<1x16xf32>,
        %swap3A_458 = vector.shape_cast %swap3A_457 : vector<1x16xf32> to vector<16xf32>
        %swap3A_459 = vector.shape_cast %add3A_454 : vector<16xf32> to vector<1x16xf32>
        tpu.vector_store %arg9[%swap3A_455, %swap3A_456], %swap3A_459 {strides = array<i32>} : memref<4x4096xf32, #tpu.memory_space<vmem>>, vector<1x16xf32>,
        %mul3A_460 = arith.constant 8 : i32
        %mul3A_461 = arith.muli %scan3A_229, %mul3A_460 : i32
        %add3A_462 = arith.constant 4 : i32
        %add3A_463 = arith.addi %mul3A_461, %add3A_462 : i32
        %jit3A_464 = arith.constant 256 : i32
        %div3A_465 = arith.divsi %add3A_463, %jit3A_464 : i32
        %sign3A_466 = arith.constant 0 : i32
        %sign3A_467 = arith.cmpi sgt, %add3A_463, %sign3A_466 : i32
        %sign3A_468 = arith.extui %sign3A_467 : i1 to i32
        %sign3A_469 = arith.constant 0 : i32
        %sign3A_470 = arith.cmpi slt, %add3A_463, %sign3A_469 : i32
        %sign3A_471 = arith.extui %sign3A_470 : i1 to i32
        %sign3A_472 = arith.subi %sign3A_468, %sign3A_471 : i32
        %sign3A_473 = arith.constant 0 : i32
        %sign3A_474 = arith.cmpi sgt, %jit3A_464, %sign3A_473 : i32
        %sign3A_475 = arith.extui %sign3A_474 : i1 to i32
        %sign3A_476 = arith.constant 0 : i32
        %sign3A_477 = arith.cmpi slt, %jit3A_464, %sign3A_476 : i32
        %sign3A_478 = arith.extui %sign3A_477 : i1 to i32
        %sign3A_479 = arith.subi %sign3A_475, %sign3A_478 : i32
        %ne3A_480 = arith.cmpi ne, %sign3A_472, %sign3A_479 : i32
        %rem3A_481 = arith.remsi %add3A_463, %jit3A_464 : i32
        %ne3A_482 = arith.constant 0 : i32
        %ne3A_483 = arith.cmpi ne, %rem3A_481, %ne3A_482 : i32
        %and3A_484 = arith.andi %ne3A_480, %ne3A_483 : i1
        %sub3A_485 = arith.constant 1 : i32
        %sub3A_486 = arith.subi %div3A_465, %sub3A_485 : i32
        %select_n3A_487 = arith.select %and3A_484, %sub3A_486, %div3A_465 : i32
        %jit3A_488 = arith.constant 256 : i32
        %eq3A_489 = arith.constant 0 : i32
        %eq3A_490 = arith.cmpi eq, %jit3A_488, %eq3A_489 : i32
        %jit3A_491 = arith.constant 1 : i32
        %select_n3A_492 = arith.select %eq3A_490, %jit3A_491, %jit3A_488 : i32
        %rem3A_493 = arith.remsi %add3A_463, %select_n3A_492 : i32
        %ne3A_494 = arith.constant 0 : i32
        %ne3A_495 = arith.cmpi ne, %rem3A_493, %ne3A_494 : i32
        %lt3A_496 = arith.constant 0 : i32
        %lt3A_497 = arith.cmpi slt, %rem3A_493, %lt3A_496 : i32
        %lt3A_498 = arith.constant 0 : i32
        %lt3A_499 = arith.cmpi slt, %select_n3A_492, %lt3A_498 : i32
        %ne3A_500 = arith.xori %lt3A_497, %lt3A_499 : i1
        %and3A_501 = arith.andi %ne3A_500, %ne3A_495 : i1
        %add3A_502 = arith.addi %rem3A_493, %select_n3A_492 : i32
        %select_n3A_503 = arith.select %and3A_501, %add3A_502, %rem3A_493 : i32
        %mul3A_504 = arith.constant 16 : i32
        %mul3A_505 = arith.muli %select_n3A_503, %mul3A_504 : i32
        %get3A_506 = arith.index_cast %select_n3A_487 : i32 to index
        %get3A_507 = arith.index_cast %mul3A_505 : i32 to index
        %get3A_508 = tpu.vector_load %arg9[%get3A_506, %get3A_507] {strides = array<i32>} : memref<4x4096xf32, #tpu.memory_space<vmem>>, vector<1x16xf32>,
        %get3A_509 = vector.shape_cast %get3A_508 : vector<1x16xf32> to vector<16xf32>
        %get3A_510 = arith.index_cast %select_n3A_487 : i32 to index
        %get3A_511 = arith.index_cast %mul3A_505 : i32 to index
        %get3A_512 = tpu.vector_load %arg6[%get3A_510, %get3A_511] {strides = array<i32>} : memref<4x4096xf32, #tpu.memory_space<vmem>>, vector<1x16xf32>,
        %get3A_513 = vector.shape_cast %get3A_512 : vector<1x16xf32> to vector<16xf32>
        %add3A_514 = arith.addf %get3A_509, %get3A_513 : vector<16xf32>
        %swap3A_515 = arith.index_cast %select_n3A_487 : i32 to index
        %swap3A_516 = arith.index_cast %mul3A_505 : i32 to index
        %swap3A_517 = tpu.vector_load %arg9[%swap3A_515, %swap3A_516] {strides = array<i32>} : memref<4x4096xf32, #tpu.memory_space<vmem>>, vector<1x16xf32>,
        %swap3A_518 = vector.shape_cast %swap3A_517 : vector<1x16xf32> to vector<16xf32>
        %swap3A_519 = vector.shape_cast %add3A_514 : vector<16xf32> to vector<1x16xf32>
        tpu.vector_store %arg9[%swap3A_515, %swap3A_516], %swap3A_519 {strides = array<i32>} : memref<4x4096xf32, #tpu.memory_space<vmem>>, vector<1x16xf32>,
        %mul3A_520 = arith.constant 8 : i32
        %mul3A_521 = arith.muli %scan3A_229, %mul3A_520 : i32
        %add3A_522 = arith.constant 5 : i32
        %add3A_523 = arith.addi %mul3A_521, %add3A_522 : i32
        %jit3A_524 = arith.constant 256 : i32
        %div3A_525 = arith.divsi %add3A_523, %jit3A_524 : i32
        %sign3A_526 = arith.constant 0 : i32
        %sign3A_527 = arith.cmpi sgt, %add3A_523, %sign3A_526 : i32
        %sign3A_528 = arith.extui %sign3A_527 : i1 to i32
        %sign3A_529 = arith.constant 0 : i32
        %sign3A_530 = arith.cmpi slt, %add3A_523, %sign3A_529 : i32
        %sign3A_531 = arith.extui %sign3A_530 : i1 to i32
        %sign3A_532 = arith.subi %sign3A_528, %sign3A_531 : i32
        %sign3A_533 = arith.constant 0 : i32
        %sign3A_534 = arith.cmpi sgt, %jit3A_524, %sign3A_533 : i32
        %sign3A_535 = arith.extui %sign3A_534 : i1 to i32
        %sign3A_536 = arith.constant 0 : i32
        %sign3A_537 = arith.cmpi slt, %jit3A_524, %sign3A_536 : i32
        %sign3A_538 = arith.extui %sign3A_537 : i1 to i32
        %sign3A_539 = arith.subi %sign3A_535, %sign3A_538 : i32
        %ne3A_540 = arith.cmpi ne, %sign3A_532, %sign3A_539 : i32
        %rem3A_541 = arith.remsi %add3A_523, %jit3A_524 : i32
        %ne3A_542 = arith.constant 0 : i32
        %ne3A_543 = arith.cmpi ne, %rem3A_541, %ne3A_542 : i32
        %and3A_544 = arith.andi %ne3A_540, %ne3A_543 : i1
        %sub3A_545 = arith.constant 1 : i32
        %sub3A_546 = arith.subi %div3A_525, %sub3A_545 : i32
        %select_n3A_547 = arith.select %and3A_544, %sub3A_546, %div3A_525 : i32
        %jit3A_548 = arith.constant 256 : i32
        %eq3A_549 = arith.constant 0 : i32
        %eq3A_550 = arith.cmpi eq, %jit3A_548, %eq3A_549 : i32
        %jit3A_551 = arith.constant 1 : i32
        %select_n3A_552 = arith.select %eq3A_550, %jit3A_551, %jit3A_548 : i32
        %rem3A_553 = arith.remsi %add3A_523, %select_n3A_552 : i32
        %ne3A_554 = arith.constant 0 : i32
        %ne3A_555 = arith.cmpi ne, %rem3A_553, %ne3A_554 : i32
        %lt3A_556 = arith.constant 0 : i32
        %lt3A_557 = arith.cmpi slt, %rem3A_553, %lt3A_556 : i32
        %lt3A_558 = arith.constant 0 : i32
        %lt3A_559 = arith.cmpi slt, %select_n3A_552, %lt3A_558 : i32
        %ne3A_560 = arith.xori %lt3A_557, %lt3A_559 : i1
        %and3A_561 = arith.andi %ne3A_560, %ne3A_555 : i1
        %add3A_562 = arith.addi %rem3A_553, %select_n3A_552 : i32
        %select_n3A_563 = arith.select %and3A_561, %add3A_562, %rem3A_553 : i32
        %mul3A_564 = arith.constant 16 : i32
        %mul3A_565 = arith.muli %select_n3A_563, %mul3A_564 : i32
        %get3A_566 = arith.index_cast %select_n3A_547 : i32 to index
        %get3A_567 = arith.index_cast %mul3A_565 : i32 to index
        %get3A_568 = tpu.vector_load %arg9[%get3A_566, %get3A_567] {strides = array<i32>} : memref<4x4096xf32, #tpu.memory_space<vmem>>, vector<1x16xf32>,
        %get3A_569 = vector.shape_cast %get3A_568 : vector<1x16xf32> to vector<16xf32>
        %get3A_570 = arith.index_cast %select_n3A_547 : i32 to index
        %get3A_571 = arith.index_cast %mul3A_565 : i32 to index
        %get3A_572 = tpu.vector_load %arg6[%get3A_570, %get3A_571] {strides = array<i32>} : memref<4x4096xf32, #tpu.memory_space<vmem>>, vector<1x16xf32>,
        %get3A_573 = vector.shape_cast %get3A_572 : vector<1x16xf32> to vector<16xf32>
        %add3A_574 = arith.addf %get3A_569, %get3A_573 : vector<16xf32>
        %swap3A_575 = arith.index_cast %select_n3A_547 : i32 to index
        %swap3A_576 = arith.index_cast %mul3A_565 : i32 to index
        %swap3A_577 = tpu.vector_load %arg9[%swap3A_575, %swap3A_576] {strides = array<i32>} : memref<4x4096xf32, #tpu.memory_space<vmem>>, vector<1x16xf32>,
        %swap3A_578 = vector.shape_cast %swap3A_577 : vector<1x16xf32> to vector<16xf32>
        %swap3A_579 = vector.shape_cast %add3A_574 : vector<16xf32> to vector<1x16xf32>
        tpu.vector_store %arg9[%swap3A_575, %swap3A_576], %swap3A_579 {strides = array<i32>} : memref<4x4096xf32, #tpu.memory_space<vmem>>, vector<1x16xf32>,
        %mul3A_580 = arith.constant 8 : i32
        %mul3A_581 = arith.muli %scan3A_229, %mul3A_580 : i32
        %add3A_582 = arith.constant 6 : i32
        %add3A_583 = arith.addi %mul3A_581, %add3A_582 : i32
        %jit3A_584 = arith.constant 256 : i32
        %div3A_585 = arith.divsi %add3A_583, %jit3A_584 : i32
        %sign3A_586 = arith.constant 0 : i32
        %sign3A_587 = arith.cmpi sgt, %add3A_583, %sign3A_586 : i32
        %sign3A_588 = arith.extui %sign3A_587 : i1 to i32
        %sign3A_589 = arith.constant 0 : i32
        %sign3A_590 = arith.cmpi slt, %add3A_583, %sign3A_589 : i32
        %sign3A_591 = arith.extui %sign3A_590 : i1 to i32
        %sign3A_592 = arith.subi %sign3A_588, %sign3A_591 : i32
        %sign3A_593 = arith.constant 0 : i32
        %sign3A_594 = arith.cmpi sgt, %jit3A_584, %sign3A_593 : i32
        %sign3A_595 = arith.extui %sign3A_594 : i1 to i32
        %sign3A_596 = arith.constant 0 : i32
        %sign3A_597 = arith.cmpi slt, %jit3A_584, %sign3A_596 : i32
        %sign3A_598 = arith.extui %sign3A_597 : i1 to i32
        %sign3A_599 = arith.subi %sign3A_595, %sign3A_598 : i32
        %ne3A_600 = arith.cmpi ne, %sign3A_592, %sign3A_599 : i32
        %rem3A_601 = arith.remsi %add3A_583, %jit3A_584 : i32
        %ne3A_602 = arith.constant 0 : i32
        %ne3A_603 = arith.cmpi ne, %rem3A_601, %ne3A_602 : i32
        %and3A_604 = arith.andi %ne3A_600, %ne3A_603 : i1
        %sub3A_605 = arith.constant 1 : i32
        %sub3A_606 = arith.subi %div3A_585, %sub3A_605 : i32
        %select_n3A_607 = arith.select %and3A_604, %sub3A_606, %div3A_585 : i32
        %jit3A_608 = arith.constant 256 : i32
        %eq3A_609 = arith.constant 0 : i32
        %eq3A_610 = arith.cmpi eq, %jit3A_608, %eq3A_609 : i32
        %jit3A_611 = arith.constant 1 : i32
        %select_n3A_612 = arith.select %eq3A_610, %jit3A_611, %jit3A_608 : i32
        %rem3A_613 = arith.remsi %add3A_583, %select_n3A_612 : i32
        %ne3A_614 = arith.constant 0 : i32
        %ne3A_615 = arith.cmpi ne, %rem3A_613, %ne3A_614 : i32
        %lt3A_616 = arith.constant 0 : i32
        %lt3A_617 = arith.cmpi slt, %rem3A_613, %lt3A_616 : i32
        %lt3A_618 = arith.constant 0 : i32
        %lt3A_619 = arith.cmpi slt, %select_n3A_612, %lt3A_618 : i32
        %ne3A_620 = arith.xori %lt3A_617, %lt3A_619 : i1
        %and3A_621 = arith.andi %ne3A_620, %ne3A_615 : i1
        %add3A_622 = arith.addi %rem3A_613, %select_n3A_612 : i32
        %select_n3A_623 = arith.select %and3A_621, %add3A_622, %rem3A_613 : i32
        %mul3A_624 = arith.constant 16 : i32
        %mul3A_625 = arith.muli %select_n3A_623, %mul3A_624 : i32
        %get3A_626 = arith.index_cast %select_n3A_607 : i32 to index
        %get3A_627 = arith.index_cast %mul3A_625 : i32 to index
        %get3A_628 = tpu.vector_load %arg9[%get3A_626, %get3A_627] {strides = array<i32>} : memref<4x4096xf32, #tpu.memory_space<vmem>>, vector<1x16xf32>,
        %get3A_629 = vector.shape_cast %get3A_628 : vector<1x16xf32> to vector<16xf32>
        %get3A_630 = arith.index_cast %select_n3A_607 : i32 to index
        %get3A_631 = arith.index_cast %mul3A_625 : i32 to index
        %get3A_632 = tpu.vector_load %arg6[%get3A_630, %get3A_631] {strides = array<i32>} : memref<4x4096xf32, #tpu.memory_space<vmem>>, vector<1x16xf32>,
        %get3A_633 = vector.shape_cast %get3A_632 : vector<1x16xf32> to vector<16xf32>
        %add3A_634 = arith.addf %get3A_629, %get3A_633 : vector<16xf32>
        %swap3A_635 = arith.index_cast %select_n3A_607 : i32 to index
        %swap3A_636 = arith.index_cast %mul3A_625 : i32 to index
        %swap3A_637 = tpu.vector_load %arg9[%swap3A_635, %swap3A_636] {strides = array<i32>} : memref<4x4096xf32, #tpu.memory_space<vmem>>, vector<1x16xf32>,
        %swap3A_638 = vector.shape_cast %swap3A_637 : vector<1x16xf32> to vector<16xf32>
        %swap3A_639 = vector.shape_cast %add3A_634 : vector<16xf32> to vector<1x16xf32>
        tpu.vector_store %arg9[%swap3A_635, %swap3A_636], %swap3A_639 {strides = array<i32>} : memref<4x4096xf32, #tpu.memory_space<vmem>>, vector<1x16xf32>,
        %mul3A_640 = arith.constant 8 : i32
        %mul3A_641 = arith.muli %scan3A_229, %mul3A_640 : i32
        %add3A_642 = arith.constant 7 : i32
        %add3A_643 = arith.addi %mul3A_641, %add3A_642 : i32
        %jit3A_644 = arith.constant 256 : i32
        %div3A_645 = arith.divsi %add3A_643, %jit3A_644 : i32
        %sign3A_646 = arith.constant 0 : i32
        %sign3A_647 = arith.cmpi sgt, %add3A_643, %sign3A_646 : i32
        %sign3A_648 = arith.extui %sign3A_647 : i1 to i32
        %sign3A_649 = arith.constant 0 : i32
        %sign3A_650 = arith.cmpi slt, %add3A_643, %sign3A_649 : i32
        %sign3A_651 = arith.extui %sign3A_650 : i1 to i32
        %sign3A_652 = arith.subi %sign3A_648, %sign3A_651 : i32
        %sign3A_653 = arith.constant 0 : i32
        %sign3A_654 = arith.cmpi sgt, %jit3A_644, %sign3A_653 : i32
        %sign3A_655 = arith.extui %sign3A_654 : i1 to i32
        %sign3A_656 = arith.constant 0 : i32
        %sign3A_657 = arith.cmpi slt, %jit3A_644, %sign3A_656 : i32
        %sign3A_658 = arith.extui %sign3A_657 : i1 to i32
        %sign3A_659 = arith.subi %sign3A_655, %sign3A_658 : i32
        %ne3A_660 = arith.cmpi ne, %sign3A_652, %sign3A_659 : i32
        %rem3A_661 = arith.remsi %add3A_643, %jit3A_644 : i32
        %ne3A_662 = arith.constant 0 : i32
        %ne3A_663 = arith.cmpi ne, %rem3A_661, %ne3A_662 : i32
        %and3A_664 = arith.andi %ne3A_660, %ne3A_663 : i1
        %sub3A_665 = arith.constant 1 : i32
        %sub3A_666 = arith.subi %div3A_645, %sub3A_665 : i32
        %select_n3A_667 = arith.select %and3A_664, %sub3A_666, %div3A_645 : i32
        %jit3A_668 = arith.constant 256 : i32
        %eq3A_669 = arith.constant 0 : i32
        %eq3A_670 = arith.cmpi eq, %jit3A_668, %eq3A_669 : i32
        %jit3A_671 = arith.constant 1 : i32
        %select_n3A_672 = arith.select %eq3A_670, %jit3A_671, %jit3A_668 : i32
        %rem3A_673 = arith.remsi %add3A_643, %select_n3A_672 : i32
        %ne3A_674 = arith.constant 0 : i32
        %ne3A_675 = arith.cmpi ne, %rem3A_673, %ne3A_674 : i32
        %lt3A_676 = arith.constant 0 : i32
        %lt3A_677 = arith.cmpi slt, %rem3A_673, %lt3A_676 : i32
        %lt3A_678 = arith.constant 0 : i32
        %lt3A_679 = arith.cmpi slt, %select_n3A_672, %lt3A_678 : i32
        %ne3A_680 = arith.xori %lt3A_677, %lt3A_679 : i1
        %and3A_681 = arith.andi %ne3A_680, %ne3A_675 : i1
        %add3A_682 = arith.addi %rem3A_673, %select_n3A_672 : i32
        %select_n3A_683 = arith.select %and3A_681, %add3A_682, %rem3A_673 : i32
        %mul3A_684 = arith.constant 16 : i32
        %mul3A_685 = arith.muli %select_n3A_683, %mul3A_684 : i32
        %get3A_686 = arith.index_cast %select_n3A_667 : i32 to index
        %get3A_687 = arith.index_cast %mul3A_685 : i32 to index
        %get3A_688 = tpu.vector_load %arg9[%get3A_686, %get3A_687] {strides = array<i32>} : memref<4x4096xf32, #tpu.memory_space<vmem>>, vector<1x16xf32>,
        %get3A_689 = vector.shape_cast %get3A_688 : vector<1x16xf32> to vector<16xf32>
        %get3A_690 = arith.index_cast %select_n3A_667 : i32 to index
        %get3A_691 = arith.index_cast %mul3A_685 : i32 to index
        %get3A_692 = tpu.vector_load %arg6[%get3A_690, %get3A_691] {strides = array<i32>} : memref<4x4096xf32, #tpu.memory_space<vmem>>, vector<1x16xf32>,
        %get3A_693 = vector.shape_cast %get3A_692 : vector<1x16xf32> to vector<16xf32>
        %add3A_694 = arith.addf %get3A_689, %get3A_693 : vector<16xf32>
        %swap3A_695 = arith.index_cast %select_n3A_667 : i32 to index
        %swap3A_696 = arith.index_cast %mul3A_685 : i32 to index
        %swap3A_697 = tpu.vector_load %arg9[%swap3A_695, %swap3A_696] {strides = array<i32>} : memref<4x4096xf32, #tpu.memory_space<vmem>>, vector<1x16xf32>,
        %swap3A_698 = vector.shape_cast %swap3A_697 : vector<1x16xf32> to vector<16xf32>
        %swap3A_699 = vector.shape_cast %add3A_694 : vector<16xf32> to vector<1x16xf32>
        tpu.vector_store %arg9[%swap3A_695, %swap3A_696], %swap3A_699 {strides = array<i32>} : memref<4x4096xf32, #tpu.memory_space<vmem>>, vector<1x16xf32>,
        %scan3A_700 = arith.constant 0 : i32
        scf.yield %scan3A_700 : i32
      }
      %scan3A_172 = arith.constant 128 : i32
      %mul3A_173 = arith.constant 4 : i32
      %mul3A_174 = arith.muli %add3A_142, %mul3A_173 : i32
      %add3A_175 = arith.addi %mul3A_2, %mul3A_174 : i32
      %dma_start3A_176 = arith.constant 0 : i32
      %dma_start3A_177 = arith.constant 0 : i32
      %dma_start3A_178 = tpu.memref_slice %arg4[%dma_start3A_176, %add3A_175, %dma_start3A_177] : memref<1x8192x4096xf32, #tpu.memory_space<hbm>> -> memref<1x4x4096xf32, #tpu.memory_space<hbm>>
      %dma_start3A_179 = tpu.memref_squeeze %dma_start3A_178 : memref<1x4x4096xf32, #tpu.memory_space<hbm>> -> memref<4x4096xf32, #tpu.memory_space<hbm>>
      %dma_start3A_180 = arith.constant 0 : i32
      %dma_start3A_181 = tpu.memref_slice %arg4[%dma_start3A_176, %add3A_175, %dma_start3A_180] : memref<1x8192x4096xf32, #tpu.memory_space<hbm>> -> memref<1x4x4096xf32, #tpu.memory_space<hbm>>
      %dma_start3A_182 = tpu.memref_squeeze %dma_start3A_181 : memref<1x4x4096xf32, #tpu.memory_space<hbm>> -> memref<4x4096xf32, #tpu.memory_space<hbm>>
      tpu.enqueue_dma source(%arg9 : memref<4x4096xf32, #tpu.memory_space<vmem>>) target(%dma_start3A_182 : memref<4x4096xf32, #tpu.memory_space<hbm>>) target_semaphore(%arg18 : memref<!tpu.dma_semaphore, #tpu.memory_space<semaphore_mem>>)
      %mul3A_183 = arith.constant 3 : i32
      %mul3A_184 = arith.muli %scan3A_95, %mul3A_183 : i32
      %add3A_185 = arith.constant 2 : i32
      %add3A_186 = arith.addi %mul3A_184, %add3A_185 : i32
      %add3A_187 = arith.constant 2 : i32
      %add3A_188 = arith.addi %add3A_186, %add3A_187 : i32
      %lt3A_189 = arith.constant 64 : i32
      %lt3A_190 = arith.cmpi slt, %add3A_188, %lt3A_189 : i32
      %convert_element_type3A_191 = arith.extui %lt3A_190 : i1 to i32
      %cond3A_192 = arith.constant 0 : i32
      %cond3A_193 = arith.cmpi ne, %convert_element_type3A_191, %cond3A_192 : i32
      scf.if %cond3A_193 {
        %mul3A_229 = arith.constant 4 : i32
        %mul3A_230 = arith.muli %add3A_188, %mul3A_229 : i32
        %add3A_231 = arith.addi %mul3A_2, %mul3A_230 : i32
        %dma_wait3A_232 = arith.constant 0 : i32
        %dma_wait3A_233 = arith.constant 0 : i32
        %dma_wait3A_234 = tpu.memref_slice %arg4[%dma_wait3A_232, %add3A_231, %dma_wait3A_233] : memref<1x8192x4096xf32, #tpu.memory_space<hbm>> -> memref<1x4x4096xf32, #tpu.memory_space<hbm>>
        %dma_wait3A_235 = tpu.memref_squeeze %dma_wait3A_234 : memref<1x4x4096xf32, #tpu.memory_space<hbm>> -> memref<4x4096xf32, #tpu.memory_space<hbm>>
        %dma_wait3A_236 = arith.constant 0 : i32
        %dma_wait3A_237 = tpu.memref_slice %arg4[%dma_wait3A_232, %add3A_231, %dma_wait3A_236] : memref<1x8192x4096xf32, #tpu.memory_space<hbm>> -> memref<1x4x4096xf32, #tpu.memory_space<hbm>>
        %dma_wait3A_238 = tpu.memref_squeeze %dma_wait3A_237 : memref<1x4x4096xf32, #tpu.memory_space<hbm>> -> memref<4x4096xf32, #tpu.memory_space<hbm>>
        tpu.wait_dma2 semaphore(%arg18 : memref<!tpu.dma_semaphore, #tpu.memory_space<semaphore_mem>>) src(%arg9 : memref<4x4096xf32, #tpu.memory_space<vmem>>) dst(%dma_wait3A_238 : memref<4x4096xf32, #tpu.memory_space<hbm>>)
        %mul3A_239 = arith.constant 4 : i32
        %mul3A_240 = arith.muli %add3A_188, %mul3A_239 : i32
        %add3A_241 = arith.addi %mul3A_2, %mul3A_240 : i32
        %dma_start3A_242 = arith.constant 0 : i32
        %dma_start3A_243 = tpu.memref_slice %arg3[%add3A_241, %dma_start3A_242] : memref<8192x4096xf32, #tpu.memory_space<hbm>> -> memref<4x4096xf32, #tpu.memory_space<hbm>>
        %dma_start3A_244 = arith.constant 0 : i32
        %dma_start3A_245 = tpu.memref_slice %arg3[%add3A_241, %dma_start3A_244] : memref<8192x4096xf32, #tpu.memory_space<hbm>> -> memref<4x4096xf32, #tpu.memory_space<hbm>>
        tpu.enqueue_dma source(%dma_start3A_245 : memref<4x4096xf32, #tpu.memory_space<hbm>>) target(%arg6 : memref<4x4096xf32, #tpu.memory_space<vmem>>) target_semaphore(%arg12 : memref<!tpu.dma_semaphore, #tpu.memory_space<semaphore_mem>>)
        %mul3A_246 = arith.constant 4 : i32
        %mul3A_247 = arith.muli %add3A_188, %mul3A_246 : i32
        %add3A_248 = arith.addi %mul3A_2, %mul3A_247 : i32
        %dma_start3A_249 = arith.constant 3 : i32
        %dma_start3A_250 = arith.constant 0 : i32
        %dma_start3A_251 = tpu.memref_slice %arg2[%dma_start3A_249, %add3A_248, %dma_start3A_250] : memref<4x8192x4096xf32, #tpu.memory_space<hbm>> -> memref<1x4x4096xf32, #tpu.memory_space<hbm>>
        %dma_start3A_252 = tpu.memref_squeeze %dma_start3A_251 : memref<1x4x4096xf32, #tpu.memory_space<hbm>> -> memref<4x4096xf32, #tpu.memory_space<hbm>>
        %dma_start3A_253 = arith.constant 0 : i32
        %dma_start3A_254 = tpu.memref_slice %arg2[%dma_start3A_249, %add3A_248, %dma_start3A_253] : memref<4x8192x4096xf32, #tpu.memory_space<hbm>> -> memref<1x4x4096xf32, #tpu.memory_space<hbm>>
        %dma_start3A_255 = tpu.memref_squeeze %dma_start3A_254 : memref<1x4x4096xf32, #tpu.memory_space<hbm>> -> memref<4x4096xf32, #tpu.memory_space<hbm>>
        tpu.enqueue_dma source(%dma_start3A_255 : memref<4x4096xf32, #tpu.memory_space<hbm>>) target(%arg9 : memref<4x4096xf32, #tpu.memory_space<vmem>>) target_semaphore(%arg15 : memref<!tpu.dma_semaphore, #tpu.memory_space<semaphore_mem>>)
      } else {
      }
      %mul3A_194 = arith.constant 4 : i32
      %mul3A_195 = arith.muli %add3A_186, %mul3A_194 : i32
      %add3A_196 = arith.addi %mul3A_2, %mul3A_195 : i32
      %dma_wait3A_197 = arith.constant 0 : i32
      %dma_wait3A_198 = tpu.memref_slice %arg3[%add3A_196, %dma_wait3A_197] : memref<8192x4096xf32, #tpu.memory_space<hbm>> -> memref<4x4096xf32, #tpu.memory_space<hbm>>
      %dma_wait3A_199 = arith.constant 0 : i32
      %dma_wait3A_200 = tpu.memref_slice %arg3[%add3A_196, %dma_wait3A_199] : memref<8192x4096xf32, #tpu.memory_space<hbm>> -> memref<4x4096xf32, #tpu.memory_space<hbm>>
      tpu.wait_dma2 semaphore(%arg13 : memref<!tpu.dma_semaphore, #tpu.memory_space<semaphore_mem>>) src(%dma_wait3A_200 : memref<4x4096xf32, #tpu.memory_space<hbm>>) dst(%arg7 : memref<4x4096xf32, #tpu.memory_space<vmem>>)
      %mul3A_201 = arith.constant 4 : i32
      %mul3A_202 = arith.muli %add3A_186, %mul3A_201 : i32
      %add3A_203 = arith.addi %mul3A_2, %mul3A_202 : i32
      %dma_wait3A_204 = arith.constant 3 : i32
      %dma_wait3A_205 = arith.constant 0 : i32
      %dma_wait3A_206 = tpu.memref_slice %arg2[%dma_wait3A_204, %add3A_203, %dma_wait3A_205] : memref<4x8192x4096xf32, #tpu.memory_space<hbm>> -> memref<1x4x4096xf32, #tpu.memory_space<hbm>>
      %dma_wait3A_207 = tpu.memref_squeeze %dma_wait3A_206 : memref<1x4x4096xf32, #tpu.memory_space<hbm>> -> memref<4x4096xf32, #tpu.memory_space<hbm>>
      %dma_wait3A_208 = arith.constant 0 : i32
      %dma_wait3A_209 = tpu.memref_slice %arg2[%dma_wait3A_204, %add3A_203, %dma_wait3A_208] : memref<4x8192x4096xf32, #tpu.memory_space<hbm>> -> memref<1x4x4096xf32, #tpu.memory_space<hbm>>
      %dma_wait3A_210 = tpu.memref_squeeze %dma_wait3A_209 : memref<1x4x4096xf32, #tpu.memory_space<hbm>> -> memref<4x4096xf32, #tpu.memory_space<hbm>>
      tpu.wait_dma2 semaphore(%arg16 : memref<!tpu.dma_semaphore, #tpu.memory_space<semaphore_mem>>) src(%dma_wait3A_210 : memref<4x4096xf32, #tpu.memory_space<hbm>>) dst(%arg10 : memref<4x4096xf32, #tpu.memory_space<vmem>>)
      %scan3A_211 = arith.constant 0 : i32
      %scan3A_212 = arith.constant 0 : i32
      %scan3A_213 = arith.constant 128 : i32
      %scan3A_214 = arith.addi %scan3A_212, %scan3A_213 : i32
      %scan3A_215 = arith.constant 1 : i32
      %scan3A_216 = scf.for %scan3A_229 = %scan3A_212 to %scan3A_214 step %scan3A_215 iter_args(%scan3A_230 = %scan3A_211) -> (i32)  : i32 {
        %mul3A_231 = arith.constant 8 : i32
        %mul3A_232 = arith.muli %scan3A_229, %mul3A_231 : i32
        %add3A_233 = arith.constant 0 : i32
        %add3A_234 = arith.addi %mul3A_232, %add3A_233 : i32
        %jit3A = arith.constant 256 : i32
        %div3A = arith.divsi %add3A_234, %jit3A : i32
        %sign3A = arith.constant 0 : i32
        %sign3A_235 = arith.cmpi sgt, %add3A_234, %sign3A : i32
        %sign3A_236 = arith.extui %sign3A_235 : i1 to i32
        %sign3A_237 = arith.constant 0 : i32
        %sign3A_238 = arith.cmpi slt, %add3A_234, %sign3A_237 : i32
        %sign3A_239 = arith.extui %sign3A_238 : i1 to i32
        %sign3A_240 = arith.subi %sign3A_236, %sign3A_239 : i32
        %sign3A_241 = arith.constant 0 : i32
        %sign3A_242 = arith.cmpi sgt, %jit3A, %sign3A_241 : i32
        %sign3A_243 = arith.extui %sign3A_242 : i1 to i32
        %sign3A_244 = arith.constant 0 : i32
        %sign3A_245 = arith.cmpi slt, %jit3A, %sign3A_244 : i32
        %sign3A_246 = arith.extui %sign3A_245 : i1 to i32
        %sign3A_247 = arith.subi %sign3A_243, %sign3A_246 : i32
        %ne3A = arith.cmpi ne, %sign3A_240, %sign3A_247 : i32
        %rem3A = arith.remsi %add3A_234, %jit3A : i32
        %ne3A_248 = arith.constant 0 : i32
        %ne3A_249 = arith.cmpi ne, %rem3A, %ne3A_248 : i32
        %and3A = arith.andi %ne3A, %ne3A_249 : i1
        %sub3A = arith.constant 1 : i32
        %sub3A_250 = arith.subi %div3A, %sub3A : i32
        %select_n3A = arith.select %and3A, %sub3A_250, %div3A : i32
        %jit3A_251 = arith.constant 256 : i32
        %eq3A = arith.constant 0 : i32
        %eq3A_252 = arith.cmpi eq, %jit3A_251, %eq3A : i32
        %jit3A_253 = arith.constant 1 : i32
        %select_n3A_254 = arith.select %eq3A_252, %jit3A_253, %jit3A_251 : i32
        %rem3A_255 = arith.remsi %add3A_234, %select_n3A_254 : i32
        %ne3A_256 = arith.constant 0 : i32
        %ne3A_257 = arith.cmpi ne, %rem3A_255, %ne3A_256 : i32
        %lt3A_258 = arith.constant 0 : i32
        %lt3A_259 = arith.cmpi slt, %rem3A_255, %lt3A_258 : i32
        %lt3A_260 = arith.constant 0 : i32
        %lt3A_261 = arith.cmpi slt, %select_n3A_254, %lt3A_260 : i32
        %ne3A_262 = arith.xori %lt3A_259, %lt3A_261 : i1
        %and3A_263 = arith.andi %ne3A_262, %ne3A_257 : i1
        %add3A_264 = arith.addi %rem3A_255, %select_n3A_254 : i32
        %select_n3A_265 = arith.select %and3A_263, %add3A_264, %rem3A_255 : i32
        %mul3A_266 = arith.constant 16 : i32
        %mul3A_267 = arith.muli %select_n3A_265, %mul3A_266 : i32
        %get3A = arith.index_cast %select_n3A : i32 to index
        %get3A_268 = arith.index_cast %mul3A_267 : i32 to index
        %get3A_269 = tpu.vector_load %arg10[%get3A, %get3A_268] {strides = array<i32>} : memref<4x4096xf32, #tpu.memory_space<vmem>>, vector<1x16xf32>,
        %get3A_270 = vector.shape_cast %get3A_269 : vector<1x16xf32> to vector<16xf32>
        %get3A_271 = arith.index_cast %select_n3A : i32 to index
        %get3A_272 = arith.index_cast %mul3A_267 : i32 to index
        %get3A_273 = tpu.vector_load %arg7[%get3A_271, %get3A_272] {strides = array<i32>} : memref<4x4096xf32, #tpu.memory_space<vmem>>, vector<1x16xf32>,
        %get3A_274 = vector.shape_cast %get3A_273 : vector<1x16xf32> to vector<16xf32>
        %add3A_275 = arith.addf %get3A_270, %get3A_274 : vector<16xf32>
        %swap3A = arith.index_cast %select_n3A : i32 to index
        %swap3A_276 = arith.index_cast %mul3A_267 : i32 to index
        %swap3A_277 = tpu.vector_load %arg10[%swap3A, %swap3A_276] {strides = array<i32>} : memref<4x4096xf32, #tpu.memory_space<vmem>>, vector<1x16xf32>,
        %swap3A_278 = vector.shape_cast %swap3A_277 : vector<1x16xf32> to vector<16xf32>
        %swap3A_279 = vector.shape_cast %add3A_275 : vector<16xf32> to vector<1x16xf32>
        tpu.vector_store %arg10[%swap3A, %swap3A_276], %swap3A_279 {strides = array<i32>} : memref<4x4096xf32, #tpu.memory_space<vmem>>, vector<1x16xf32>,
        %mul3A_280 = arith.constant 8 : i32
        %mul3A_281 = arith.muli %scan3A_229, %mul3A_280 : i32
        %add3A_282 = arith.constant 1 : i32
        %add3A_283 = arith.addi %mul3A_281, %add3A_282 : i32
        %jit3A_284 = arith.constant 256 : i32
        %div3A_285 = arith.divsi %add3A_283, %jit3A_284 : i32
        %sign3A_286 = arith.constant 0 : i32
        %sign3A_287 = arith.cmpi sgt, %add3A_283, %sign3A_286 : i32
        %sign3A_288 = arith.extui %sign3A_287 : i1 to i32
        %sign3A_289 = arith.constant 0 : i32
        %sign3A_290 = arith.cmpi slt, %add3A_283, %sign3A_289 : i32
        %sign3A_291 = arith.extui %sign3A_290 : i1 to i32
        %sign3A_292 = arith.subi %sign3A_288, %sign3A_291 : i32
        %sign3A_293 = arith.constant 0 : i32
        %sign3A_294 = arith.cmpi sgt, %jit3A_284, %sign3A_293 : i32
        %sign3A_295 = arith.extui %sign3A_294 : i1 to i32
        %sign3A_296 = arith.constant 0 : i32
        %sign3A_297 = arith.cmpi slt, %jit3A_284, %sign3A_296 : i32
        %sign3A_298 = arith.extui %sign3A_297 : i1 to i32
        %sign3A_299 = arith.subi %sign3A_295, %sign3A_298 : i32
        %ne3A_300 = arith.cmpi ne, %sign3A_292, %sign3A_299 : i32
        %rem3A_301 = arith.remsi %add3A_283, %jit3A_284 : i32
        %ne3A_302 = arith.constant 0 : i32
        %ne3A_303 = arith.cmpi ne, %rem3A_301, %ne3A_302 : i32
        %and3A_304 = arith.andi %ne3A_300, %ne3A_303 : i1
        %sub3A_305 = arith.constant 1 : i32
        %sub3A_306 = arith.subi %div3A_285, %sub3A_305 : i32
        %select_n3A_307 = arith.select %and3A_304, %sub3A_306, %div3A_285 : i32
        %jit3A_308 = arith.constant 256 : i32
        %eq3A_309 = arith.constant 0 : i32
        %eq3A_310 = arith.cmpi eq, %jit3A_308, %eq3A_309 : i32
        %jit3A_311 = arith.constant 1 : i32
        %select_n3A_312 = arith.select %eq3A_310, %jit3A_311, %jit3A_308 : i32
        %rem3A_313 = arith.remsi %add3A_283, %select_n3A_312 : i32
        %ne3A_314 = arith.constant 0 : i32
        %ne3A_315 = arith.cmpi ne, %rem3A_313, %ne3A_314 : i32
        %lt3A_316 = arith.constant 0 : i32
        %lt3A_317 = arith.cmpi slt, %rem3A_313, %lt3A_316 : i32
        %lt3A_318 = arith.constant 0 : i32
        %lt3A_319 = arith.cmpi slt, %select_n3A_312, %lt3A_318 : i32
        %ne3A_320 = arith.xori %lt3A_317, %lt3A_319 : i1
        %and3A_321 = arith.andi %ne3A_320, %ne3A_315 : i1
        %add3A_322 = arith.addi %rem3A_313, %select_n3A_312 : i32
        %select_n3A_323 = arith.select %and3A_321, %add3A_322, %rem3A_313 : i32
        %mul3A_324 = arith.constant 16 : i32
        %mul3A_325 = arith.muli %select_n3A_323, %mul3A_324 : i32
        %get3A_326 = arith.index_cast %select_n3A_307 : i32 to index
        %get3A_327 = arith.index_cast %mul3A_325 : i32 to index
        %get3A_328 = tpu.vector_load %arg10[%get3A_326, %get3A_327] {strides = array<i32>} : memref<4x4096xf32, #tpu.memory_space<vmem>>, vector<1x16xf32>,
        %get3A_329 = vector.shape_cast %get3A_328 : vector<1x16xf32> to vector<16xf32>
        %get3A_330 = arith.index_cast %select_n3A_307 : i32 to index
        %get3A_331 = arith.index_cast %mul3A_325 : i32 to index
        %get3A_332 = tpu.vector_load %arg7[%get3A_330, %get3A_331] {strides = array<i32>} : memref<4x4096xf32, #tpu.memory_space<vmem>>, vector<1x16xf32>,
        %get3A_333 = vector.shape_cast %get3A_332 : vector<1x16xf32> to vector<16xf32>
        %add3A_334 = arith.addf %get3A_329, %get3A_333 : vector<16xf32>
        %swap3A_335 = arith.index_cast %select_n3A_307 : i32 to index
        %swap3A_336 = arith.index_cast %mul3A_325 : i32 to index
        %swap3A_337 = tpu.vector_load %arg10[%swap3A_335, %swap3A_336] {strides = array<i32>} : memref<4x4096xf32, #tpu.memory_space<vmem>>, vector<1x16xf32>,
        %swap3A_338 = vector.shape_cast %swap3A_337 : vector<1x16xf32> to vector<16xf32>
        %swap3A_339 = vector.shape_cast %add3A_334 : vector<16xf32> to vector<1x16xf32>
        tpu.vector_store %arg10[%swap3A_335, %swap3A_336], %swap3A_339 {strides = array<i32>} : memref<4x4096xf32, #tpu.memory_space<vmem>>, vector<1x16xf32>,
        %mul3A_340 = arith.constant 8 : i32
        %mul3A_341 = arith.muli %scan3A_229, %mul3A_340 : i32
        %add3A_342 = arith.constant 2 : i32
        %add3A_343 = arith.addi %mul3A_341, %add3A_342 : i32
        %jit3A_344 = arith.constant 256 : i32
        %div3A_345 = arith.divsi %add3A_343, %jit3A_344 : i32
        %sign3A_346 = arith.constant 0 : i32
        %sign3A_347 = arith.cmpi sgt, %add3A_343, %sign3A_346 : i32
        %sign3A_348 = arith.extui %sign3A_347 : i1 to i32
        %sign3A_349 = arith.constant 0 : i32
        %sign3A_350 = arith.cmpi slt, %add3A_343, %sign3A_349 : i32
        %sign3A_351 = arith.extui %sign3A_350 : i1 to i32
        %sign3A_352 = arith.subi %sign3A_348, %sign3A_351 : i32
        %sign3A_353 = arith.constant 0 : i32
        %sign3A_354 = arith.cmpi sgt, %jit3A_344, %sign3A_353 : i32
        %sign3A_355 = arith.extui %sign3A_354 : i1 to i32
        %sign3A_356 = arith.constant 0 : i32
        %sign3A_357 = arith.cmpi slt, %jit3A_344, %sign3A_356 : i32
        %sign3A_358 = arith.extui %sign3A_357 : i1 to i32
        %sign3A_359 = arith.subi %sign3A_355, %sign3A_358 : i32
        %ne3A_360 = arith.cmpi ne, %sign3A_352, %sign3A_359 : i32
        %rem3A_361 = arith.remsi %add3A_343, %jit3A_344 : i32
        %ne3A_362 = arith.constant 0 : i32
        %ne3A_363 = arith.cmpi ne, %rem3A_361, %ne3A_362 : i32
        %and3A_364 = arith.andi %ne3A_360, %ne3A_363 : i1
        %sub3A_365 = arith.constant 1 : i32
        %sub3A_366 = arith.subi %div3A_345, %sub3A_365 : i32
        %select_n3A_367 = arith.select %and3A_364, %sub3A_366, %div3A_345 : i32
        %jit3A_368 = arith.constant 256 : i32
        %eq3A_369 = arith.constant 0 : i32
        %eq3A_370 = arith.cmpi eq, %jit3A_368, %eq3A_369 : i32
        %jit3A_371 = arith.constant 1 : i32
        %select_n3A_372 = arith.select %eq3A_370, %jit3A_371, %jit3A_368 : i32
        %rem3A_373 = arith.remsi %add3A_343, %select_n3A_372 : i32
        %ne3A_374 = arith.constant 0 : i32
        %ne3A_375 = arith.cmpi ne, %rem3A_373, %ne3A_374 : i32
        %lt3A_376 = arith.constant 0 : i32
        %lt3A_377 = arith.cmpi slt, %rem3A_373, %lt3A_376 : i32
        %lt3A_378 = arith.constant 0 : i32
        %lt3A_379 = arith.cmpi slt, %select_n3A_372, %lt3A_378 : i32
        %ne3A_380 = arith.xori %lt3A_377, %lt3A_379 : i1
        %and3A_381 = arith.andi %ne3A_380, %ne3A_375 : i1
        %add3A_382 = arith.addi %rem3A_373, %select_n3A_372 : i32
        %select_n3A_383 = arith.select %and3A_381, %add3A_382, %rem3A_373 : i32
        %mul3A_384 = arith.constant 16 : i32
        %mul3A_385 = arith.muli %select_n3A_383, %mul3A_384 : i32
        %get3A_386 = arith.index_cast %select_n3A_367 : i32 to index
        %get3A_387 = arith.index_cast %mul3A_385 : i32 to index
        %get3A_388 = tpu.vector_load %arg10[%get3A_386, %get3A_387] {strides = array<i32>} : memref<4x4096xf32, #tpu.memory_space<vmem>>, vector<1x16xf32>,
        %get3A_389 = vector.shape_cast %get3A_388 : vector<1x16xf32> to vector<16xf32>
        %get3A_390 = arith.index_cast %select_n3A_367 : i32 to index
        %get3A_391 = arith.index_cast %mul3A_385 : i32 to index
        %get3A_392 = tpu.vector_load %arg7[%get3A_390, %get3A_391] {strides = array<i32>} : memref<4x4096xf32, #tpu.memory_space<vmem>>, vector<1x16xf32>,
        %get3A_393 = vector.shape_cast %get3A_392 : vector<1x16xf32> to vector<16xf32>
        %add3A_394 = arith.addf %get3A_389, %get3A_393 : vector<16xf32>
        %swap3A_395 = arith.index_cast %select_n3A_367 : i32 to index
        %swap3A_396 = arith.index_cast %mul3A_385 : i32 to index
        %swap3A_397 = tpu.vector_load %arg10[%swap3A_395, %swap3A_396] {strides = array<i32>} : memref<4x4096xf32, #tpu.memory_space<vmem>>, vector<1x16xf32>,
        %swap3A_398 = vector.shape_cast %swap3A_397 : vector<1x16xf32> to vector<16xf32>
        %swap3A_399 = vector.shape_cast %add3A_394 : vector<16xf32> to vector<1x16xf32>
        tpu.vector_store %arg10[%swap3A_395, %swap3A_396], %swap3A_399 {strides = array<i32>} : memref<4x4096xf32, #tpu.memory_space<vmem>>, vector<1x16xf32>,
        %mul3A_400 = arith.constant 8 : i32
        %mul3A_401 = arith.muli %scan3A_229, %mul3A_400 : i32
        %add3A_402 = arith.constant 3 : i32
        %add3A_403 = arith.addi %mul3A_401, %add3A_402 : i32
        %jit3A_404 = arith.constant 256 : i32
        %div3A_405 = arith.divsi %add3A_403, %jit3A_404 : i32
        %sign3A_406 = arith.constant 0 : i32
        %sign3A_407 = arith.cmpi sgt, %add3A_403, %sign3A_406 : i32
        %sign3A_408 = arith.extui %sign3A_407 : i1 to i32
        %sign3A_409 = arith.constant 0 : i32
        %sign3A_410 = arith.cmpi slt, %add3A_403, %sign3A_409 : i32
        %sign3A_411 = arith.extui %sign3A_410 : i1 to i32
        %sign3A_412 = arith.subi %sign3A_408, %sign3A_411 : i32
        %sign3A_413 = arith.constant 0 : i32
        %sign3A_414 = arith.cmpi sgt, %jit3A_404, %sign3A_413 : i32
        %sign3A_415 = arith.extui %sign3A_414 : i1 to i32
        %sign3A_416 = arith.constant 0 : i32
        %sign3A_417 = arith.cmpi slt, %jit3A_404, %sign3A_416 : i32
        %sign3A_418 = arith.extui %sign3A_417 : i1 to i32
        %sign3A_419 = arith.subi %sign3A_415, %sign3A_418 : i32
        %ne3A_420 = arith.cmpi ne, %sign3A_412, %sign3A_419 : i32
        %rem3A_421 = arith.remsi %add3A_403, %jit3A_404 : i32
        %ne3A_422 = arith.constant 0 : i32
        %ne3A_423 = arith.cmpi ne, %rem3A_421, %ne3A_422 : i32
        %and3A_424 = arith.andi %ne3A_420, %ne3A_423 : i1
        %sub3A_425 = arith.constant 1 : i32
        %sub3A_426 = arith.subi %div3A_405, %sub3A_425 : i32
        %select_n3A_427 = arith.select %and3A_424, %sub3A_426, %div3A_405 : i32
        %jit3A_428 = arith.constant 256 : i32
        %eq3A_429 = arith.constant 0 : i32
        %eq3A_430 = arith.cmpi eq, %jit3A_428, %eq3A_429 : i32
        %jit3A_431 = arith.constant 1 : i32
        %select_n3A_432 = arith.select %eq3A_430, %jit3A_431, %jit3A_428 : i32
        %rem3A_433 = arith.remsi %add3A_403, %select_n3A_432 : i32
        %ne3A_434 = arith.constant 0 : i32
        %ne3A_435 = arith.cmpi ne, %rem3A_433, %ne3A_434 : i32
        %lt3A_436 = arith.constant 0 : i32
        %lt3A_437 = arith.cmpi slt, %rem3A_433, %lt3A_436 : i32
        %lt3A_438 = arith.constant 0 : i32
        %lt3A_439 = arith.cmpi slt, %select_n3A_432, %lt3A_438 : i32
        %ne3A_440 = arith.xori %lt3A_437, %lt3A_439 : i1
        %and3A_441 = arith.andi %ne3A_440, %ne3A_435 : i1
        %add3A_442 = arith.addi %rem3A_433, %select_n3A_432 : i32
        %select_n3A_443 = arith.select %and3A_441, %add3A_442, %rem3A_433 : i32
        %mul3A_444 = arith.constant 16 : i32
        %mul3A_445 = arith.muli %select_n3A_443, %mul3A_444 : i32
        %get3A_446 = arith.index_cast %select_n3A_427 : i32 to index
        %get3A_447 = arith.index_cast %mul3A_445 : i32 to index
        %get3A_448 = tpu.vector_load %arg10[%get3A_446, %get3A_447] {strides = array<i32>} : memref<4x4096xf32, #tpu.memory_space<vmem>>, vector<1x16xf32>,
        %get3A_449 = vector.shape_cast %get3A_448 : vector<1x16xf32> to vector<16xf32>
        %get3A_450 = arith.index_cast %select_n3A_427 : i32 to index
        %get3A_451 = arith.index_cast %mul3A_445 : i32 to index
        %get3A_452 = tpu.vector_load %arg7[%get3A_450, %get3A_451] {strides = array<i32>} : memref<4x4096xf32, #tpu.memory_space<vmem>>, vector<1x16xf32>,
        %get3A_453 = vector.shape_cast %get3A_452 : vector<1x16xf32> to vector<16xf32>
        %add3A_454 = arith.addf %get3A_449, %get3A_453 : vector<16xf32>
        %swap3A_455 = arith.index_cast %select_n3A_427 : i32 to index
        %swap3A_456 = arith.index_cast %mul3A_445 : i32 to index
        %swap3A_457 = tpu.vector_load %arg10[%swap3A_455, %swap3A_456] {strides = array<i32>} : memref<4x4096xf32, #tpu.memory_space<vmem>>, vector<1x16xf32>,
        %swap3A_458 = vector.shape_cast %swap3A_457 : vector<1x16xf32> to vector<16xf32>
        %swap3A_459 = vector.shape_cast %add3A_454 : vector<16xf32> to vector<1x16xf32>
        tpu.vector_store %arg10[%swap3A_455, %swap3A_456], %swap3A_459 {strides = array<i32>} : memref<4x4096xf32, #tpu.memory_space<vmem>>, vector<1x16xf32>,
        %mul3A_460 = arith.constant 8 : i32
        %mul3A_461 = arith.muli %scan3A_229, %mul3A_460 : i32
        %add3A_462 = arith.constant 4 : i32
        %add3A_463 = arith.addi %mul3A_461, %add3A_462 : i32
        %jit3A_464 = arith.constant 256 : i32
        %div3A_465 = arith.divsi %add3A_463, %jit3A_464 : i32
        %sign3A_466 = arith.constant 0 : i32
        %sign3A_467 = arith.cmpi sgt, %add3A_463, %sign3A_466 : i32
        %sign3A_468 = arith.extui %sign3A_467 : i1 to i32
        %sign3A_469 = arith.constant 0 : i32
        %sign3A_470 = arith.cmpi slt, %add3A_463, %sign3A_469 : i32
        %sign3A_471 = arith.extui %sign3A_470 : i1 to i32
        %sign3A_472 = arith.subi %sign3A_468, %sign3A_471 : i32
        %sign3A_473 = arith.constant 0 : i32
        %sign3A_474 = arith.cmpi sgt, %jit3A_464, %sign3A_473 : i32
        %sign3A_475 = arith.extui %sign3A_474 : i1 to i32
        %sign3A_476 = arith.constant 0 : i32
        %sign3A_477 = arith.cmpi slt, %jit3A_464, %sign3A_476 : i32
        %sign3A_478 = arith.extui %sign3A_477 : i1 to i32
        %sign3A_479 = arith.subi %sign3A_475, %sign3A_478 : i32
        %ne3A_480 = arith.cmpi ne, %sign3A_472, %sign3A_479 : i32
        %rem3A_481 = arith.remsi %add3A_463, %jit3A_464 : i32
        %ne3A_482 = arith.constant 0 : i32
        %ne3A_483 = arith.cmpi ne, %rem3A_481, %ne3A_482 : i32
        %and3A_484 = arith.andi %ne3A_480, %ne3A_483 : i1
        %sub3A_485 = arith.constant 1 : i32
        %sub3A_486 = arith.subi %div3A_465, %sub3A_485 : i32
        %select_n3A_487 = arith.select %and3A_484, %sub3A_486, %div3A_465 : i32
        %jit3A_488 = arith.constant 256 : i32
        %eq3A_489 = arith.constant 0 : i32
        %eq3A_490 = arith.cmpi eq, %jit3A_488, %eq3A_489 : i32
        %jit3A_491 = arith.constant 1 : i32
        %select_n3A_492 = arith.select %eq3A_490, %jit3A_491, %jit3A_488 : i32
        %rem3A_493 = arith.remsi %add3A_463, %select_n3A_492 : i32
        %ne3A_494 = arith.constant 0 : i32
        %ne3A_495 = arith.cmpi ne, %rem3A_493, %ne3A_494 : i32
        %lt3A_496 = arith.constant 0 : i32
        %lt3A_497 = arith.cmpi slt, %rem3A_493, %lt3A_496 : i32
        %lt3A_498 = arith.constant 0 : i32
        %lt3A_499 = arith.cmpi slt, %select_n3A_492, %lt3A_498 : i32
        %ne3A_500 = arith.xori %lt3A_497, %lt3A_499 : i1
        %and3A_501 = arith.andi %ne3A_500, %ne3A_495 : i1
        %add3A_502 = arith.addi %rem3A_493, %select_n3A_492 : i32
        %select_n3A_503 = arith.select %and3A_501, %add3A_502, %rem3A_493 : i32
        %mul3A_504 = arith.constant 16 : i32
        %mul3A_505 = arith.muli %select_n3A_503, %mul3A_504 : i32
        %get3A_506 = arith.index_cast %select_n3A_487 : i32 to index
        %get3A_507 = arith.index_cast %mul3A_505 : i32 to index
        %get3A_508 = tpu.vector_load %arg10[%get3A_506, %get3A_507] {strides = array<i32>} : memref<4x4096xf32, #tpu.memory_space<vmem>>, vector<1x16xf32>,
        %get3A_509 = vector.shape_cast %get3A_508 : vector<1x16xf32> to vector<16xf32>
        %get3A_510 = arith.index_cast %select_n3A_487 : i32 to index
        %get3A_511 = arith.index_cast %mul3A_505 : i32 to index
        %get3A_512 = tpu.vector_load %arg7[%get3A_510, %get3A_511] {strides = array<i32>} : memref<4x4096xf32, #tpu.memory_space<vmem>>, vector<1x16xf32>,
        %get3A_513 = vector.shape_cast %get3A_512 : vector<1x16xf32> to vector<16xf32>
        %add3A_514 = arith.addf %get3A_509, %get3A_513 : vector<16xf32>
        %swap3A_515 = arith.index_cast %select_n3A_487 : i32 to index
        %swap3A_516 = arith.index_cast %mul3A_505 : i32 to index
        %swap3A_517 = tpu.vector_load %arg10[%swap3A_515, %swap3A_516] {strides = array<i32>} : memref<4x4096xf32, #tpu.memory_space<vmem>>, vector<1x16xf32>,
        %swap3A_518 = vector.shape_cast %swap3A_517 : vector<1x16xf32> to vector<16xf32>
        %swap3A_519 = vector.shape_cast %add3A_514 : vector<16xf32> to vector<1x16xf32>
        tpu.vector_store %arg10[%swap3A_515, %swap3A_516], %swap3A_519 {strides = array<i32>} : memref<4x4096xf32, #tpu.memory_space<vmem>>, vector<1x16xf32>,
        %mul3A_520 = arith.constant 8 : i32
        %mul3A_521 = arith.muli %scan3A_229, %mul3A_520 : i32
        %add3A_522 = arith.constant 5 : i32
        %add3A_523 = arith.addi %mul3A_521, %add3A_522 : i32
        %jit3A_524 = arith.constant 256 : i32
        %div3A_525 = arith.divsi %add3A_523, %jit3A_524 : i32
        %sign3A_526 = arith.constant 0 : i32
        %sign3A_527 = arith.cmpi sgt, %add3A_523, %sign3A_526 : i32
        %sign3A_528 = arith.extui %sign3A_527 : i1 to i32
        %sign3A_529 = arith.constant 0 : i32
        %sign3A_530 = arith.cmpi slt, %add3A_523, %sign3A_529 : i32
        %sign3A_531 = arith.extui %sign3A_530 : i1 to i32
        %sign3A_532 = arith.subi %sign3A_528, %sign3A_531 : i32
        %sign3A_533 = arith.constant 0 : i32
        %sign3A_534 = arith.cmpi sgt, %jit3A_524, %sign3A_533 : i32
        %sign3A_535 = arith.extui %sign3A_534 : i1 to i32
        %sign3A_536 = arith.constant 0 : i32
        %sign3A_537 = arith.cmpi slt, %jit3A_524, %sign3A_536 : i32
        %sign3A_538 = arith.extui %sign3A_537 : i1 to i32
        %sign3A_539 = arith.subi %sign3A_535, %sign3A_538 : i32
        %ne3A_540 = arith.cmpi ne, %sign3A_532, %sign3A_539 : i32
        %rem3A_541 = arith.remsi %add3A_523, %jit3A_524 : i32
        %ne3A_542 = arith.constant 0 : i32
        %ne3A_543 = arith.cmpi ne, %rem3A_541, %ne3A_542 : i32
        %and3A_544 = arith.andi %ne3A_540, %ne3A_543 : i1
        %sub3A_545 = arith.constant 1 : i32
        %sub3A_546 = arith.subi %div3A_525, %sub3A_545 : i32
        %select_n3A_547 = arith.select %and3A_544, %sub3A_546, %div3A_525 : i32
        %jit3A_548 = arith.constant 256 : i32
        %eq3A_549 = arith.constant 0 : i32
        %eq3A_550 = arith.cmpi eq, %jit3A_548, %eq3A_549 : i32
        %jit3A_551 = arith.constant 1 : i32
        %select_n3A_552 = arith.select %eq3A_550, %jit3A_551, %jit3A_548 : i32
        %rem3A_553 = arith.remsi %add3A_523, %select_n3A_552 : i32
        %ne3A_554 = arith.constant 0 : i32
        %ne3A_555 = arith.cmpi ne, %rem3A_553, %ne3A_554 : i32
        %lt3A_556 = arith.constant 0 : i32
        %lt3A_557 = arith.cmpi slt, %rem3A_553, %lt3A_556 : i32
        %lt3A_558 = arith.constant 0 : i32
        %lt3A_559 = arith.cmpi slt, %select_n3A_552, %lt3A_558 : i32
        %ne3A_560 = arith.xori %lt3A_557, %lt3A_559 : i1
        %and3A_561 = arith.andi %ne3A_560, %ne3A_555 : i1
        %add3A_562 = arith.addi %rem3A_553, %select_n3A_552 : i32
        %select_n3A_563 = arith.select %and3A_561, %add3A_562, %rem3A_553 : i32
        %mul3A_564 = arith.constant 16 : i32
        %mul3A_565 = arith.muli %select_n3A_563, %mul3A_564 : i32
        %get3A_566 = arith.index_cast %select_n3A_547 : i32 to index
        %get3A_567 = arith.index_cast %mul3A_565 : i32 to index
        %get3A_568 = tpu.vector_load %arg10[%get3A_566, %get3A_567] {strides = array<i32>} : memref<4x4096xf32, #tpu.memory_space<vmem>>, vector<1x16xf32>,
        %get3A_569 = vector.shape_cast %get3A_568 : vector<1x16xf32> to vector<16xf32>
        %get3A_570 = arith.index_cast %select_n3A_547 : i32 to index
        %get3A_571 = arith.index_cast %mul3A_565 : i32 to index
        %get3A_572 = tpu.vector_load %arg7[%get3A_570, %get3A_571] {strides = array<i32>} : memref<4x4096xf32, #tpu.memory_space<vmem>>, vector<1x16xf32>,
        %get3A_573 = vector.shape_cast %get3A_572 : vector<1x16xf32> to vector<16xf32>
        %add3A_574 = arith.addf %get3A_569, %get3A_573 : vector<16xf32>
        %swap3A_575 = arith.index_cast %select_n3A_547 : i32 to index
        %swap3A_576 = arith.index_cast %mul3A_565 : i32 to index
        %swap3A_577 = tpu.vector_load %arg10[%swap3A_575, %swap3A_576] {strides = array<i32>} : memref<4x4096xf32, #tpu.memory_space<vmem>>, vector<1x16xf32>,
        %swap3A_578 = vector.shape_cast %swap3A_577 : vector<1x16xf32> to vector<16xf32>
        %swap3A_579 = vector.shape_cast %add3A_574 : vector<16xf32> to vector<1x16xf32>
        tpu.vector_store %arg10[%swap3A_575, %swap3A_576], %swap3A_579 {strides = array<i32>} : memref<4x4096xf32, #tpu.memory_space<vmem>>, vector<1x16xf32>,
        %mul3A_580 = arith.constant 8 : i32
        %mul3A_581 = arith.muli %scan3A_229, %mul3A_580 : i32
        %add3A_582 = arith.constant 6 : i32
        %add3A_583 = arith.addi %mul3A_581, %add3A_582 : i32
        %jit3A_584 = arith.constant 256 : i32
        %div3A_585 = arith.divsi %add3A_583, %jit3A_584 : i32
        %sign3A_586 = arith.constant 0 : i32
        %sign3A_587 = arith.cmpi sgt, %add3A_583, %sign3A_586 : i32
        %sign3A_588 = arith.extui %sign3A_587 : i1 to i32
        %sign3A_589 = arith.constant 0 : i32
        %sign3A_590 = arith.cmpi slt, %add3A_583, %sign3A_589 : i32
        %sign3A_591 = arith.extui %sign3A_590 : i1 to i32
        %sign3A_592 = arith.subi %sign3A_588, %sign3A_591 : i32
        %sign3A_593 = arith.constant 0 : i32
        %sign3A_594 = arith.cmpi sgt, %jit3A_584, %sign3A_593 : i32
        %sign3A_595 = arith.extui %sign3A_594 : i1 to i32
        %sign3A_596 = arith.constant 0 : i32
        %sign3A_597 = arith.cmpi slt, %jit3A_584, %sign3A_596 : i32
        %sign3A_598 = arith.extui %sign3A_597 : i1 to i32
        %sign3A_599 = arith.subi %sign3A_595, %sign3A_598 : i32
        %ne3A_600 = arith.cmpi ne, %sign3A_592, %sign3A_599 : i32
        %rem3A_601 = arith.remsi %add3A_583, %jit3A_584 : i32
        %ne3A_602 = arith.constant 0 : i32
        %ne3A_603 = arith.cmpi ne, %rem3A_601, %ne3A_602 : i32
        %and3A_604 = arith.andi %ne3A_600, %ne3A_603 : i1
        %sub3A_605 = arith.constant 1 : i32
        %sub3A_606 = arith.subi %div3A_585, %sub3A_605 : i32
        %select_n3A_607 = arith.select %and3A_604, %sub3A_606, %div3A_585 : i32
        %jit3A_608 = arith.constant 256 : i32
        %eq3A_609 = arith.constant 0 : i32
        %eq3A_610 = arith.cmpi eq, %jit3A_608, %eq3A_609 : i32
        %jit3A_611 = arith.constant 1 : i32
        %select_n3A_612 = arith.select %eq3A_610, %jit3A_611, %jit3A_608 : i32
        %rem3A_613 = arith.remsi %add3A_583, %select_n3A_612 : i32
        %ne3A_614 = arith.constant 0 : i32
        %ne3A_615 = arith.cmpi ne, %rem3A_613, %ne3A_614 : i32
        %lt3A_616 = arith.constant 0 : i32
        %lt3A_617 = arith.cmpi slt, %rem3A_613, %lt3A_616 : i32
        %lt3A_618 = arith.constant 0 : i32
        %lt3A_619 = arith.cmpi slt, %select_n3A_612, %lt3A_618 : i32
        %ne3A_620 = arith.xori %lt3A_617, %lt3A_619 : i1
        %and3A_621 = arith.andi %ne3A_620, %ne3A_615 : i1
        %add3A_622 = arith.addi %rem3A_613, %select_n3A_612 : i32
        %select_n3A_623 = arith.select %and3A_621, %add3A_622, %rem3A_613 : i32
        %mul3A_624 = arith.constant 16 : i32
        %mul3A_625 = arith.muli %select_n3A_623, %mul3A_624 : i32
        %get3A_626 = arith.index_cast %select_n3A_607 : i32 to index
        %get3A_627 = arith.index_cast %mul3A_625 : i32 to index
        %get3A_628 = tpu.vector_load %arg10[%get3A_626, %get3A_627] {strides = array<i32>} : memref<4x4096xf32, #tpu.memory_space<vmem>>, vector<1x16xf32>,
        %get3A_629 = vector.shape_cast %get3A_628 : vector<1x16xf32> to vector<16xf32>
        %get3A_630 = arith.index_cast %select_n3A_607 : i32 to index
        %get3A_631 = arith.index_cast %mul3A_625 : i32 to index
        %get3A_632 = tpu.vector_load %arg7[%get3A_630, %get3A_631] {strides = array<i32>} : memref<4x4096xf32, #tpu.memory_space<vmem>>, vector<1x16xf32>,
        %get3A_633 = vector.shape_cast %get3A_632 : vector<1x16xf32> to vector<16xf32>
        %add3A_634 = arith.addf %get3A_629, %get3A_633 : vector<16xf32>
        %swap3A_635 = arith.index_cast %select_n3A_607 : i32 to index
        %swap3A_636 = arith.index_cast %mul3A_625 : i32 to index
        %swap3A_637 = tpu.vector_load %arg10[%swap3A_635, %swap3A_636] {strides = array<i32>} : memref<4x4096xf32, #tpu.memory_space<vmem>>, vector<1x16xf32>,
        %swap3A_638 = vector.shape_cast %swap3A_637 : vector<1x16xf32> to vector<16xf32>
        %swap3A_639 = vector.shape_cast %add3A_634 : vector<16xf32> to vector<1x16xf32>
        tpu.vector_store %arg10[%swap3A_635, %swap3A_636], %swap3A_639 {strides = array<i32>} : memref<4x4096xf32, #tpu.memory_space<vmem>>, vector<1x16xf32>,
        %mul3A_640 = arith.constant 8 : i32
        %mul3A_641 = arith.muli %scan3A_229, %mul3A_640 : i32
        %add3A_642 = arith.constant 7 : i32
        %add3A_643 = arith.addi %mul3A_641, %add3A_642 : i32
        %jit3A_644 = arith.constant 256 : i32
        %div3A_645 = arith.divsi %add3A_643, %jit3A_644 : i32
        %sign3A_646 = arith.constant 0 : i32
        %sign3A_647 = arith.cmpi sgt, %add3A_643, %sign3A_646 : i32
        %sign3A_648 = arith.extui %sign3A_647 : i1 to i32
        %sign3A_649 = arith.constant 0 : i32
        %sign3A_650 = arith.cmpi slt, %add3A_643, %sign3A_649 : i32
        %sign3A_651 = arith.extui %sign3A_650 : i1 to i32
        %sign3A_652 = arith.subi %sign3A_648, %sign3A_651 : i32
        %sign3A_653 = arith.constant 0 : i32
        %sign3A_654 = arith.cmpi sgt, %jit3A_644, %sign3A_653 : i32
        %sign3A_655 = arith.extui %sign3A_654 : i1 to i32
        %sign3A_656 = arith.constant 0 : i32
        %sign3A_657 = arith.cmpi slt, %jit3A_644, %sign3A_656 : i32
        %sign3A_658 = arith.extui %sign3A_657 : i1 to i32
        %sign3A_659 = arith.subi %sign3A_655, %sign3A_658 : i32
        %ne3A_660 = arith.cmpi ne, %sign3A_652, %sign3A_659 : i32
        %rem3A_661 = arith.remsi %add3A_643, %jit3A_644 : i32
        %ne3A_662 = arith.constant 0 : i32
        %ne3A_663 = arith.cmpi ne, %rem3A_661, %ne3A_662 : i32
        %and3A_664 = arith.andi %ne3A_660, %ne3A_663 : i1
        %sub3A_665 = arith.constant 1 : i32
        %sub3A_666 = arith.subi %div3A_645, %sub3A_665 : i32
        %select_n3A_667 = arith.select %and3A_664, %sub3A_666, %div3A_645 : i32
        %jit3A_668 = arith.constant 256 : i32
        %eq3A_669 = arith.constant 0 : i32
        %eq3A_670 = arith.cmpi eq, %jit3A_668, %eq3A_669 : i32
        %jit3A_671 = arith.constant 1 : i32
        %select_n3A_672 = arith.select %eq3A_670, %jit3A_671, %jit3A_668 : i32
        %rem3A_673 = arith.remsi %add3A_643, %select_n3A_672 : i32
        %ne3A_674 = arith.constant 0 : i32
        %ne3A_675 = arith.cmpi ne, %rem3A_673, %ne3A_674 : i32
        %lt3A_676 = arith.constant 0 : i32
        %lt3A_677 = arith.cmpi slt, %rem3A_673, %lt3A_676 : i32
        %lt3A_678 = arith.constant 0 : i32
        %lt3A_679 = arith.cmpi slt, %select_n3A_672, %lt3A_678 : i32
        %ne3A_680 = arith.xori %lt3A_677, %lt3A_679 : i1
        %and3A_681 = arith.andi %ne3A_680, %ne3A_675 : i1
        %add3A_682 = arith.addi %rem3A_673, %select_n3A_672 : i32
        %select_n3A_683 = arith.select %and3A_681, %add3A_682, %rem3A_673 : i32
        %mul3A_684 = arith.constant 16 : i32
        %mul3A_685 = arith.muli %select_n3A_683, %mul3A_684 : i32
        %get3A_686 = arith.index_cast %select_n3A_667 : i32 to index
        %get3A_687 = arith.index_cast %mul3A_685 : i32 to index
        %get3A_688 = tpu.vector_load %arg10[%get3A_686, %get3A_687] {strides = array<i32>} : memref<4x4096xf32, #tpu.memory_space<vmem>>, vector<1x16xf32>,
        %get3A_689 = vector.shape_cast %get3A_688 : vector<1x16xf32> to vector<16xf32>
        %get3A_690 = arith.index_cast %select_n3A_667 : i32 to index
        %get3A_691 = arith.index_cast %mul3A_685 : i32 to index
        %get3A_692 = tpu.vector_load %arg7[%get3A_690, %get3A_691] {strides = array<i32>} : memref<4x4096xf32, #tpu.memory_space<vmem>>, vector<1x16xf32>,
        %get3A_693 = vector.shape_cast %get3A_692 : vector<1x16xf32> to vector<16xf32>
        %add3A_694 = arith.addf %get3A_689, %get3A_693 : vector<16xf32>
        %swap3A_695 = arith.index_cast %select_n3A_667 : i32 to index
        %swap3A_696 = arith.index_cast %mul3A_685 : i32 to index
        %swap3A_697 = tpu.vector_load %arg10[%swap3A_695, %swap3A_696] {strides = array<i32>} : memref<4x4096xf32, #tpu.memory_space<vmem>>, vector<1x16xf32>,
        %swap3A_698 = vector.shape_cast %swap3A_697 : vector<1x16xf32> to vector<16xf32>
        %swap3A_699 = vector.shape_cast %add3A_694 : vector<16xf32> to vector<1x16xf32>
        tpu.vector_store %arg10[%swap3A_695, %swap3A_696], %swap3A_699 {strides = array<i32>} : memref<4x4096xf32, #tpu.memory_space<vmem>>, vector<1x16xf32>,
        %scan3A_700 = arith.constant 0 : i32
        scf.yield %scan3A_700 : i32
      }
      %scan3A_217 = arith.constant 128 : i32
      %mul3A_218 = arith.constant 4 : i32
      %mul3A_219 = arith.muli %add3A_186, %mul3A_218 : i32
      %add3A_220 = arith.addi %mul3A_2, %mul3A_219 : i32
      %dma_start3A_221 = arith.constant 0 : i32
      %dma_start3A_222 = arith.constant 0 : i32
      %dma_start3A_223 = tpu.memref_slice %arg4[%dma_start3A_221, %add3A_220, %dma_start3A_222] : memref<1x8192x4096xf32, #tpu.memory_space<hbm>> -> memref<1x4x4096xf32, #tpu.memory_space<hbm>>
      %dma_start3A_224 = tpu.memref_squeeze %dma_start3A_223 : memref<1x4x4096xf32, #tpu.memory_space<hbm>> -> memref<4x4096xf32, #tpu.memory_space<hbm>>
      %dma_start3A_225 = arith.constant 0 : i32
      %dma_start3A_226 = tpu.memref_slice %arg4[%dma_start3A_221, %add3A_220, %dma_start3A_225] : memref<1x8192x4096xf32, #tpu.memory_space<hbm>> -> memref<1x4x4096xf32, #tpu.memory_space<hbm>>
      %dma_start3A_227 = tpu.memref_squeeze %dma_start3A_226 : memref<1x4x4096xf32, #tpu.memory_space<hbm>> -> memref<4x4096xf32, #tpu.memory_space<hbm>>
      tpu.enqueue_dma source(%arg10 : memref<4x4096xf32, #tpu.memory_space<vmem>>) target(%dma_start3A_227 : memref<4x4096xf32, #tpu.memory_space<hbm>>) target_semaphore(%arg19 : memref<!tpu.dma_semaphore, #tpu.memory_space<semaphore_mem>>)
      %scan3A_228 = arith.constant 0 : i32
      scf.yield %scan3A_228 : i32
    }
    %scan3A_37 = arith.constant 21 : i32
    %add3A_38 = arith.constant 252 : i32
    %add3A_39 = arith.addi %mul3A_2, %add3A_38 : i32
    %dma_wait3A = arith.constant 0 : i32
    %dma_wait3A_40 = tpu.memref_slice %arg3[%add3A_39, %dma_wait3A] : memref<8192x4096xf32, #tpu.memory_space<hbm>> -> memref<4x4096xf32, #tpu.memory_space<hbm>>
    %dma_wait3A_41 = arith.constant 0 : i32
    %dma_wait3A_42 = tpu.memref_slice %arg3[%add3A_39, %dma_wait3A_41] : memref<8192x4096xf32, #tpu.memory_space<hbm>> -> memref<4x4096xf32, #tpu.memory_space<hbm>>
    tpu.wait_dma2 semaphore(%arg11 : memref<!tpu.dma_semaphore, #tpu.memory_space<semaphore_mem>>) src(%dma_wait3A_42 : memref<4x4096xf32, #tpu.memory_space<hbm>>) dst(%arg5 : memref<4x4096xf32, #tpu.memory_space<vmem>>)
    %add3A_43 = arith.constant 252 : i32
    %add3A_44 = arith.addi %mul3A_2, %add3A_43 : i32
    %dma_wait3A_45 = arith.constant 3 : i32
    %dma_wait3A_46 = arith.constant 0 : i32
    %dma_wait3A_47 = tpu.memref_slice %arg2[%dma_wait3A_45, %add3A_44, %dma_wait3A_46] : memref<4x8192x4096xf32, #tpu.memory_space<hbm>> -> memref<1x4x4096xf32, #tpu.memory_space<hbm>>
    %dma_wait3A_48 = tpu.memref_squeeze %dma_wait3A_47 : memref<1x4x4096xf32, #tpu.memory_space<hbm>> -> memref<4x4096xf32, #tpu.memory_space<hbm>>
    %dma_wait3A_49 = arith.constant 0 : i32
    %dma_wait3A_50 = tpu.memref_slice %arg2[%dma_wait3A_45, %add3A_44, %dma_wait3A_49] : memref<4x8192x4096xf32, #tpu.memory_space<hbm>> -> memref<1x4x4096xf32, #tpu.memory_space<hbm>>
    %dma_wait3A_51 = tpu.memref_squeeze %dma_wait3A_50 : memref<1x4x4096xf32, #tpu.memory_space<hbm>> -> memref<4x4096xf32, #tpu.memory_space<hbm>>
    tpu.wait_dma2 semaphore(%arg14 : memref<!tpu.dma_semaphore, #tpu.memory_space<semaphore_mem>>) src(%dma_wait3A_51 : memref<4x4096xf32, #tpu.memory_space<hbm>>) dst(%arg8 : memref<4x4096xf32, #tpu.memory_space<vmem>>)
    %scan3A_52 = arith.constant 0 : i32
    %scan3A_53 = arith.constant 0 : i32
    %scan3A_54 = arith.constant 128 : i32
    %scan3A_55 = arith.addi %scan3A_53, %scan3A_54 : i32
    %scan3A_56 = arith.constant 1 : i32
    %scan3A_57 = scf.for %scan3A_95 = %scan3A_53 to %scan3A_55 step %scan3A_56 iter_args(%scan3A_96 = %scan3A_52) -> (i32)  : i32 {
      %mul3A_97 = arith.constant 8 : i32
      %mul3A_98 = arith.muli %scan3A_95, %mul3A_97 : i32
      %add3A_99 = arith.constant 0 : i32
      %add3A_100 = arith.addi %mul3A_98, %add3A_99 : i32
      %jit3A = arith.constant 256 : i32
      %div3A = arith.divsi %add3A_100, %jit3A : i32
      %sign3A = arith.constant 0 : i32
      %sign3A_101 = arith.cmpi sgt, %add3A_100, %sign3A : i32
      %sign3A_102 = arith.extui %sign3A_101 : i1 to i32
      %sign3A_103 = arith.constant 0 : i32
      %sign3A_104 = arith.cmpi slt, %add3A_100, %sign3A_103 : i32
      %sign3A_105 = arith.extui %sign3A_104 : i1 to i32
      %sign3A_106 = arith.subi %sign3A_102, %sign3A_105 : i32
      %sign3A_107 = arith.constant 0 : i32
      %sign3A_108 = arith.cmpi sgt, %jit3A, %sign3A_107 : i32
      %sign3A_109 = arith.extui %sign3A_108 : i1 to i32
      %sign3A_110 = arith.constant 0 : i32
      %sign3A_111 = arith.cmpi slt, %jit3A, %sign3A_110 : i32
      %sign3A_112 = arith.extui %sign3A_111 : i1 to i32
      %sign3A_113 = arith.subi %sign3A_109, %sign3A_112 : i32
      %ne3A = arith.cmpi ne, %sign3A_106, %sign3A_113 : i32
      %rem3A = arith.remsi %add3A_100, %jit3A : i32
      %ne3A_114 = arith.constant 0 : i32
      %ne3A_115 = arith.cmpi ne, %rem3A, %ne3A_114 : i32
      %and3A = arith.andi %ne3A, %ne3A_115 : i1
      %sub3A = arith.constant 1 : i32
      %sub3A_116 = arith.subi %div3A, %sub3A : i32
      %select_n3A = arith.select %and3A, %sub3A_116, %div3A : i32
      %jit3A_117 = arith.constant 256 : i32
      %eq3A = arith.constant 0 : i32
      %eq3A_118 = arith.cmpi eq, %jit3A_117, %eq3A : i32
      %jit3A_119 = arith.constant 1 : i32
      %select_n3A_120 = arith.select %eq3A_118, %jit3A_119, %jit3A_117 : i32
      %rem3A_121 = arith.remsi %add3A_100, %select_n3A_120 : i32
      %ne3A_122 = arith.constant 0 : i32
      %ne3A_123 = arith.cmpi ne, %rem3A_121, %ne3A_122 : i32
      %lt3A = arith.constant 0 : i32
      %lt3A_124 = arith.cmpi slt, %rem3A_121, %lt3A : i32
      %lt3A_125 = arith.constant 0 : i32
      %lt3A_126 = arith.cmpi slt, %select_n3A_120, %lt3A_125 : i32
      %ne3A_127 = arith.xori %lt3A_124, %lt3A_126 : i1
      %and3A_128 = arith.andi %ne3A_127, %ne3A_123 : i1
      %add3A_129 = arith.addi %rem3A_121, %select_n3A_120 : i32
      %select_n3A_130 = arith.select %and3A_128, %add3A_129, %rem3A_121 : i32
      %mul3A_131 = arith.constant 16 : i32
      %mul3A_132 = arith.muli %select_n3A_130, %mul3A_131 : i32
      %get3A = arith.index_cast %select_n3A : i32 to index
      %get3A_133 = arith.index_cast %mul3A_132 : i32 to index
      %get3A_134 = tpu.vector_load %arg8[%get3A, %get3A_133] {strides = array<i32>} : memref<4x4096xf32, #tpu.memory_space<vmem>>, vector<1x16xf32>,
      %get3A_135 = vector.shape_cast %get3A_134 : vector<1x16xf32> to vector<16xf32>
      %get3A_136 = arith.index_cast %select_n3A : i32 to index
      %get3A_137 = arith.index_cast %mul3A_132 : i32 to index
      %get3A_138 = tpu.vector_load %arg5[%get3A_136, %get3A_137] {strides = array<i32>} : memref<4x4096xf32, #tpu.memory_space<vmem>>, vector<1x16xf32>,
      %get3A_139 = vector.shape_cast %get3A_138 : vector<1x16xf32> to vector<16xf32>
      %add3A_140 = arith.addf %get3A_135, %get3A_139 : vector<16xf32>
      %swap3A = arith.index_cast %select_n3A : i32 to index
      %swap3A_141 = arith.index_cast %mul3A_132 : i32 to index
      %swap3A_142 = tpu.vector_load %arg8[%swap3A, %swap3A_141] {strides = array<i32>} : memref<4x4096xf32, #tpu.memory_space<vmem>>, vector<1x16xf32>,
      %swap3A_143 = vector.shape_cast %swap3A_142 : vector<1x16xf32> to vector<16xf32>
      %swap3A_144 = vector.shape_cast %add3A_140 : vector<16xf32> to vector<1x16xf32>
      tpu.vector_store %arg8[%swap3A, %swap3A_141], %swap3A_144 {strides = array<i32>} : memref<4x4096xf32, #tpu.memory_space<vmem>>, vector<1x16xf32>,
      %mul3A_145 = arith.constant 8 : i32
      %mul3A_146 = arith.muli %scan3A_95, %mul3A_145 : i32
      %add3A_147 = arith.constant 1 : i32
      %add3A_148 = arith.addi %mul3A_146, %add3A_147 : i32
      %jit3A_149 = arith.constant 256 : i32
      %div3A_150 = arith.divsi %add3A_148, %jit3A_149 : i32
      %sign3A_151 = arith.constant 0 : i32
      %sign3A_152 = arith.cmpi sgt, %add3A_148, %sign3A_151 : i32
      %sign3A_153 = arith.extui %sign3A_152 : i1 to i32
      %sign3A_154 = arith.constant 0 : i32
      %sign3A_155 = arith.cmpi slt, %add3A_148, %sign3A_154 : i32
      %sign3A_156 = arith.extui %sign3A_155 : i1 to i32
      %sign3A_157 = arith.subi %sign3A_153, %sign3A_156 : i32
      %sign3A_158 = arith.constant 0 : i32
      %sign3A_159 = arith.cmpi sgt, %jit3A_149, %sign3A_158 : i32
      %sign3A_160 = arith.extui %sign3A_159 : i1 to i32
      %sign3A_161 = arith.constant 0 : i32
      %sign3A_162 = arith.cmpi slt, %jit3A_149, %sign3A_161 : i32
      %sign3A_163 = arith.extui %sign3A_162 : i1 to i32
      %sign3A_164 = arith.subi %sign3A_160, %sign3A_163 : i32
      %ne3A_165 = arith.cmpi ne, %sign3A_157, %sign3A_164 : i32
      %rem3A_166 = arith.remsi %add3A_148, %jit3A_149 : i32
      %ne3A_167 = arith.constant 0 : i32
      %ne3A_168 = arith.cmpi ne, %rem3A_166, %ne3A_167 : i32
      %and3A_169 = arith.andi %ne3A_165, %ne3A_168 : i1
      %sub3A_170 = arith.constant 1 : i32
      %sub3A_171 = arith.subi %div3A_150, %sub3A_170 : i32
      %select_n3A_172 = arith.select %and3A_169, %sub3A_171, %div3A_150 : i32
      %jit3A_173 = arith.constant 256 : i32
      %eq3A_174 = arith.constant 0 : i32
      %eq3A_175 = arith.cmpi eq, %jit3A_173, %eq3A_174 : i32
      %jit3A_176 = arith.constant 1 : i32
      %select_n3A_177 = arith.select %eq3A_175, %jit3A_176, %jit3A_173 : i32
      %rem3A_178 = arith.remsi %add3A_148, %select_n3A_177 : i32
      %ne3A_179 = arith.constant 0 : i32
      %ne3A_180 = arith.cmpi ne, %rem3A_178, %ne3A_179 : i32
      %lt3A_181 = arith.constant 0 : i32
      %lt3A_182 = arith.cmpi slt, %rem3A_178, %lt3A_181 : i32
      %lt3A_183 = arith.constant 0 : i32
      %lt3A_184 = arith.cmpi slt, %select_n3A_177, %lt3A_183 : i32
      %ne3A_185 = arith.xori %lt3A_182, %lt3A_184 : i1
      %and3A_186 = arith.andi %ne3A_185, %ne3A_180 : i1
      %add3A_187 = arith.addi %rem3A_178, %select_n3A_177 : i32
      %select_n3A_188 = arith.select %and3A_186, %add3A_187, %rem3A_178 : i32
      %mul3A_189 = arith.constant 16 : i32
      %mul3A_190 = arith.muli %select_n3A_188, %mul3A_189 : i32
      %get3A_191 = arith.index_cast %select_n3A_172 : i32 to index
      %get3A_192 = arith.index_cast %mul3A_190 : i32 to index
      %get3A_193 = tpu.vector_load %arg8[%get3A_191, %get3A_192] {strides = array<i32>} : memref<4x4096xf32, #tpu.memory_space<vmem>>, vector<1x16xf32>,
      %get3A_194 = vector.shape_cast %get3A_193 : vector<1x16xf32> to vector<16xf32>
      %get3A_195 = arith.index_cast %select_n3A_172 : i32 to index
      %get3A_196 = arith.index_cast %mul3A_190 : i32 to index
      %get3A_197 = tpu.vector_load %arg5[%get3A_195, %get3A_196] {strides = array<i32>} : memref<4x4096xf32, #tpu.memory_space<vmem>>, vector<1x16xf32>,
      %get3A_198 = vector.shape_cast %get3A_197 : vector<1x16xf32> to vector<16xf32>
      %add3A_199 = arith.addf %get3A_194, %get3A_198 : vector<16xf32>
      %swap3A_200 = arith.index_cast %select_n3A_172 : i32 to index
      %swap3A_201 = arith.index_cast %mul3A_190 : i32 to index
      %swap3A_202 = tpu.vector_load %arg8[%swap3A_200, %swap3A_201] {strides = array<i32>} : memref<4x4096xf32, #tpu.memory_space<vmem>>, vector<1x16xf32>,
      %swap3A_203 = vector.shape_cast %swap3A_202 : vector<1x16xf32> to vector<16xf32>
      %swap3A_204 = vector.shape_cast %add3A_199 : vector<16xf32> to vector<1x16xf32>
      tpu.vector_store %arg8[%swap3A_200, %swap3A_201], %swap3A_204 {strides = array<i32>} : memref<4x4096xf32, #tpu.memory_space<vmem>>, vector<1x16xf32>,
      %mul3A_205 = arith.constant 8 : i32
      %mul3A_206 = arith.muli %scan3A_95, %mul3A_205 : i32
      %add3A_207 = arith.constant 2 : i32
      %add3A_208 = arith.addi %mul3A_206, %add3A_207 : i32
      %jit3A_209 = arith.constant 256 : i32
      %div3A_210 = arith.divsi %add3A_208, %jit3A_209 : i32
      %sign3A_211 = arith.constant 0 : i32
      %sign3A_212 = arith.cmpi sgt, %add3A_208, %sign3A_211 : i32
      %sign3A_213 = arith.extui %sign3A_212 : i1 to i32
      %sign3A_214 = arith.constant 0 : i32
      %sign3A_215 = arith.cmpi slt, %add3A_208, %sign3A_214 : i32
      %sign3A_216 = arith.extui %sign3A_215 : i1 to i32
      %sign3A_217 = arith.subi %sign3A_213, %sign3A_216 : i32
      %sign3A_218 = arith.constant 0 : i32
      %sign3A_219 = arith.cmpi sgt, %jit3A_209, %sign3A_218 : i32
      %sign3A_220 = arith.extui %sign3A_219 : i1 to i32
      %sign3A_221 = arith.constant 0 : i32
      %sign3A_222 = arith.cmpi slt, %jit3A_209, %sign3A_221 : i32
      %sign3A_223 = arith.extui %sign3A_222 : i1 to i32
      %sign3A_224 = arith.subi %sign3A_220, %sign3A_223 : i32
      %ne3A_225 = arith.cmpi ne, %sign3A_217, %sign3A_224 : i32
      %rem3A_226 = arith.remsi %add3A_208, %jit3A_209 : i32
      %ne3A_227 = arith.constant 0 : i32
      %ne3A_228 = arith.cmpi ne, %rem3A_226, %ne3A_227 : i32
      %and3A_229 = arith.andi %ne3A_225, %ne3A_228 : i1
      %sub3A_230 = arith.constant 1 : i32
      %sub3A_231 = arith.subi %div3A_210, %sub3A_230 : i32
      %select_n3A_232 = arith.select %and3A_229, %sub3A_231, %div3A_210 : i32
      %jit3A_233 = arith.constant 256 : i32
      %eq3A_234 = arith.constant 0 : i32
      %eq3A_235 = arith.cmpi eq, %jit3A_233, %eq3A_234 : i32
      %jit3A_236 = arith.constant 1 : i32
      %select_n3A_237 = arith.select %eq3A_235, %jit3A_236, %jit3A_233 : i32
      %rem3A_238 = arith.remsi %add3A_208, %select_n3A_237 : i32
      %ne3A_239 = arith.constant 0 : i32
      %ne3A_240 = arith.cmpi ne, %rem3A_238, %ne3A_239 : i32
      %lt3A_241 = arith.constant 0 : i32
      %lt3A_242 = arith.cmpi slt, %rem3A_238, %lt3A_241 : i32
      %lt3A_243 = arith.constant 0 : i32
      %lt3A_244 = arith.cmpi slt, %select_n3A_237, %lt3A_243 : i32
      %ne3A_245 = arith.xori %lt3A_242, %lt3A_244 : i1
      %and3A_246 = arith.andi %ne3A_245, %ne3A_240 : i1
      %add3A_247 = arith.addi %rem3A_238, %select_n3A_237 : i32
      %select_n3A_248 = arith.select %and3A_246, %add3A_247, %rem3A_238 : i32
      %mul3A_249 = arith.constant 16 : i32
      %mul3A_250 = arith.muli %select_n3A_248, %mul3A_249 : i32
      %get3A_251 = arith.index_cast %select_n3A_232 : i32 to index
      %get3A_252 = arith.index_cast %mul3A_250 : i32 to index
      %get3A_253 = tpu.vector_load %arg8[%get3A_251, %get3A_252] {strides = array<i32>} : memref<4x4096xf32, #tpu.memory_space<vmem>>, vector<1x16xf32>,
      %get3A_254 = vector.shape_cast %get3A_253 : vector<1x16xf32> to vector<16xf32>
      %get3A_255 = arith.index_cast %select_n3A_232 : i32 to index
      %get3A_256 = arith.index_cast %mul3A_250 : i32 to index
      %get3A_257 = tpu.vector_load %arg5[%get3A_255, %get3A_256] {strides = array<i32>} : memref<4x4096xf32, #tpu.memory_space<vmem>>, vector<1x16xf32>,
      %get3A_258 = vector.shape_cast %get3A_257 : vector<1x16xf32> to vector<16xf32>
      %add3A_259 = arith.addf %get3A_254, %get3A_258 : vector<16xf32>
      %swap3A_260 = arith.index_cast %select_n3A_232 : i32 to index
      %swap3A_261 = arith.index_cast %mul3A_250 : i32 to index
      %swap3A_262 = tpu.vector_load %arg8[%swap3A_260, %swap3A_261] {strides = array<i32>} : memref<4x4096xf32, #tpu.memory_space<vmem>>, vector<1x16xf32>,
      %swap3A_263 = vector.shape_cast %swap3A_262 : vector<1x16xf32> to vector<16xf32>
      %swap3A_264 = vector.shape_cast %add3A_259 : vector<16xf32> to vector<1x16xf32>
      tpu.vector_store %arg8[%swap3A_260, %swap3A_261], %swap3A_264 {strides = array<i32>} : memref<4x4096xf32, #tpu.memory_space<vmem>>, vector<1x16xf32>,
      %mul3A_265 = arith.constant 8 : i32
      %mul3A_266 = arith.muli %scan3A_95, %mul3A_265 : i32
      %add3A_267 = arith.constant 3 : i32
      %add3A_268 = arith.addi %mul3A_266, %add3A_267 : i32
      %jit3A_269 = arith.constant 256 : i32
      %div3A_270 = arith.divsi %add3A_268, %jit3A_269 : i32
      %sign3A_271 = arith.constant 0 : i32
      %sign3A_272 = arith.cmpi sgt, %add3A_268, %sign3A_271 : i32
      %sign3A_273 = arith.extui %sign3A_272 : i1 to i32
      %sign3A_274 = arith.constant 0 : i32
      %sign3A_275 = arith.cmpi slt, %add3A_268, %sign3A_274 : i32
      %sign3A_276 = arith.extui %sign3A_275 : i1 to i32
      %sign3A_277 = arith.subi %sign3A_273, %sign3A_276 : i32
      %sign3A_278 = arith.constant 0 : i32
      %sign3A_279 = arith.cmpi sgt, %jit3A_269, %sign3A_278 : i32
      %sign3A_280 = arith.extui %sign3A_279 : i1 to i32
      %sign3A_281 = arith.constant 0 : i32
      %sign3A_282 = arith.cmpi slt, %jit3A_269, %sign3A_281 : i32
      %sign3A_283 = arith.extui %sign3A_282 : i1 to i32
      %sign3A_284 = arith.subi %sign3A_280, %sign3A_283 : i32
      %ne3A_285 = arith.cmpi ne, %sign3A_277, %sign3A_284 : i32
      %rem3A_286 = arith.remsi %add3A_268, %jit3A_269 : i32
      %ne3A_287 = arith.constant 0 : i32
      %ne3A_288 = arith.cmpi ne, %rem3A_286, %ne3A_287 : i32
      %and3A_289 = arith.andi %ne3A_285, %ne3A_288 : i1
      %sub3A_290 = arith.constant 1 : i32
      %sub3A_291 = arith.subi %div3A_270, %sub3A_290 : i32
      %select_n3A_292 = arith.select %and3A_289, %sub3A_291, %div3A_270 : i32
      %jit3A_293 = arith.constant 256 : i32
      %eq3A_294 = arith.constant 0 : i32
      %eq3A_295 = arith.cmpi eq, %jit3A_293, %eq3A_294 : i32
      %jit3A_296 = arith.constant 1 : i32
      %select_n3A_297 = arith.select %eq3A_295, %jit3A_296, %jit3A_293 : i32
      %rem3A_298 = arith.remsi %add3A_268, %select_n3A_297 : i32
      %ne3A_299 = arith.constant 0 : i32
      %ne3A_300 = arith.cmpi ne, %rem3A_298, %ne3A_299 : i32
      %lt3A_301 = arith.constant 0 : i32
      %lt3A_302 = arith.cmpi slt, %rem3A_298, %lt3A_301 : i32
      %lt3A_303 = arith.constant 0 : i32
      %lt3A_304 = arith.cmpi slt, %select_n3A_297, %lt3A_303 : i32
      %ne3A_305 = arith.xori %lt3A_302, %lt3A_304 : i1
      %and3A_306 = arith.andi %ne3A_305, %ne3A_300 : i1
      %add3A_307 = arith.addi %rem3A_298, %select_n3A_297 : i32
      %select_n3A_308 = arith.select %and3A_306, %add3A_307, %rem3A_298 : i32
      %mul3A_309 = arith.constant 16 : i32
      %mul3A_310 = arith.muli %select_n3A_308, %mul3A_309 : i32
      %get3A_311 = arith.index_cast %select_n3A_292 : i32 to index
      %get3A_312 = arith.index_cast %mul3A_310 : i32 to index
      %get3A_313 = tpu.vector_load %arg8[%get3A_311, %get3A_312] {strides = array<i32>} : memref<4x4096xf32, #tpu.memory_space<vmem>>, vector<1x16xf32>,
      %get3A_314 = vector.shape_cast %get3A_313 : vector<1x16xf32> to vector<16xf32>
      %get3A_315 = arith.index_cast %select_n3A_292 : i32 to index
      %get3A_316 = arith.index_cast %mul3A_310 : i32 to index
      %get3A_317 = tpu.vector_load %arg5[%get3A_315, %get3A_316] {strides = array<i32>} : memref<4x4096xf32, #tpu.memory_space<vmem>>, vector<1x16xf32>,
      %get3A_318 = vector.shape_cast %get3A_317 : vector<1x16xf32> to vector<16xf32>
      %add3A_319 = arith.addf %get3A_314, %get3A_318 : vector<16xf32>
      %swap3A_320 = arith.index_cast %select_n3A_292 : i32 to index
      %swap3A_321 = arith.index_cast %mul3A_310 : i32 to index
      %swap3A_322 = tpu.vector_load %arg8[%swap3A_320, %swap3A_321] {strides = array<i32>} : memref<4x4096xf32, #tpu.memory_space<vmem>>, vector<1x16xf32>,
      %swap3A_323 = vector.shape_cast %swap3A_322 : vector<1x16xf32> to vector<16xf32>
      %swap3A_324 = vector.shape_cast %add3A_319 : vector<16xf32> to vector<1x16xf32>
      tpu.vector_store %arg8[%swap3A_320, %swap3A_321], %swap3A_324 {strides = array<i32>} : memref<4x4096xf32, #tpu.memory_space<vmem>>, vector<1x16xf32>,
      %mul3A_325 = arith.constant 8 : i32
      %mul3A_326 = arith.muli %scan3A_95, %mul3A_325 : i32
      %add3A_327 = arith.constant 4 : i32
      %add3A_328 = arith.addi %mul3A_326, %add3A_327 : i32
      %jit3A_329 = arith.constant 256 : i32
      %div3A_330 = arith.divsi %add3A_328, %jit3A_329 : i32
      %sign3A_331 = arith.constant 0 : i32
      %sign3A_332 = arith.cmpi sgt, %add3A_328, %sign3A_331 : i32
      %sign3A_333 = arith.extui %sign3A_332 : i1 to i32
      %sign3A_334 = arith.constant 0 : i32
      %sign3A_335 = arith.cmpi slt, %add3A_328, %sign3A_334 : i32
      %sign3A_336 = arith.extui %sign3A_335 : i1 to i32
      %sign3A_337 = arith.subi %sign3A_333, %sign3A_336 : i32
      %sign3A_338 = arith.constant 0 : i32
      %sign3A_339 = arith.cmpi sgt, %jit3A_329, %sign3A_338 : i32
      %sign3A_340 = arith.extui %sign3A_339 : i1 to i32
      %sign3A_341 = arith.constant 0 : i32
      %sign3A_342 = arith.cmpi slt, %jit3A_329, %sign3A_341 : i32
      %sign3A_343 = arith.extui %sign3A_342 : i1 to i32
      %sign3A_344 = arith.subi %sign3A_340, %sign3A_343 : i32
      %ne3A_345 = arith.cmpi ne, %sign3A_337, %sign3A_344 : i32
      %rem3A_346 = arith.remsi %add3A_328, %jit3A_329 : i32
      %ne3A_347 = arith.constant 0 : i32
      %ne3A_348 = arith.cmpi ne, %rem3A_346, %ne3A_347 : i32
      %and3A_349 = arith.andi %ne3A_345, %ne3A_348 : i1
      %sub3A_350 = arith.constant 1 : i32
      %sub3A_351 = arith.subi %div3A_330, %sub3A_350 : i32
      %select_n3A_352 = arith.select %and3A_349, %sub3A_351, %div3A_330 : i32
      %jit3A_353 = arith.constant 256 : i32
      %eq3A_354 = arith.constant 0 : i32
      %eq3A_355 = arith.cmpi eq, %jit3A_353, %eq3A_354 : i32
      %jit3A_356 = arith.constant 1 : i32
      %select_n3A_357 = arith.select %eq3A_355, %jit3A_356, %jit3A_353 : i32
      %rem3A_358 = arith.remsi %add3A_328, %select_n3A_357 : i32
      %ne3A_359 = arith.constant 0 : i32
      %ne3A_360 = arith.cmpi ne, %rem3A_358, %ne3A_359 : i32
      %lt3A_361 = arith.constant 0 : i32
      %lt3A_362 = arith.cmpi slt, %rem3A_358, %lt3A_361 : i32
      %lt3A_363 = arith.constant 0 : i32
      %lt3A_364 = arith.cmpi slt, %select_n3A_357, %lt3A_363 : i32
      %ne3A_365 = arith.xori %lt3A_362, %lt3A_364 : i1
      %and3A_366 = arith.andi %ne3A_365, %ne3A_360 : i1
      %add3A_367 = arith.addi %rem3A_358, %select_n3A_357 : i32
      %select_n3A_368 = arith.select %and3A_366, %add3A_367, %rem3A_358 : i32
      %mul3A_369 = arith.constant 16 : i32
      %mul3A_370 = arith.muli %select_n3A_368, %mul3A_369 : i32
      %get3A_371 = arith.index_cast %select_n3A_352 : i32 to index
      %get3A_372 = arith.index_cast %mul3A_370 : i32 to index
      %get3A_373 = tpu.vector_load %arg8[%get3A_371, %get3A_372] {strides = array<i32>} : memref<4x4096xf32, #tpu.memory_space<vmem>>, vector<1x16xf32>,
      %get3A_374 = vector.shape_cast %get3A_373 : vector<1x16xf32> to vector<16xf32>
      %get3A_375 = arith.index_cast %select_n3A_352 : i32 to index
      %get3A_376 = arith.index_cast %mul3A_370 : i32 to index
      %get3A_377 = tpu.vector_load %arg5[%get3A_375, %get3A_376] {strides = array<i32>} : memref<4x4096xf32, #tpu.memory_space<vmem>>, vector<1x16xf32>,
      %get3A_378 = vector.shape_cast %get3A_377 : vector<1x16xf32> to vector<16xf32>
      %add3A_379 = arith.addf %get3A_374, %get3A_378 : vector<16xf32>
      %swap3A_380 = arith.index_cast %select_n3A_352 : i32 to index
      %swap3A_381 = arith.index_cast %mul3A_370 : i32 to index
      %swap3A_382 = tpu.vector_load %arg8[%swap3A_380, %swap3A_381] {strides = array<i32>} : memref<4x4096xf32, #tpu.memory_space<vmem>>, vector<1x16xf32>,
      %swap3A_383 = vector.shape_cast %swap3A_382 : vector<1x16xf32> to vector<16xf32>
      %swap3A_384 = vector.shape_cast %add3A_379 : vector<16xf32> to vector<1x16xf32>
      tpu.vector_store %arg8[%swap3A_380, %swap3A_381], %swap3A_384 {strides = array<i32>} : memref<4x4096xf32, #tpu.memory_space<vmem>>, vector<1x16xf32>,
      %mul3A_385 = arith.constant 8 : i32
      %mul3A_386 = arith.muli %scan3A_95, %mul3A_385 : i32
      %add3A_387 = arith.constant 5 : i32
      %add3A_388 = arith.addi %mul3A_386, %add3A_387 : i32
      %jit3A_389 = arith.constant 256 : i32
      %div3A_390 = arith.divsi %add3A_388, %jit3A_389 : i32
      %sign3A_391 = arith.constant 0 : i32
      %sign3A_392 = arith.cmpi sgt, %add3A_388, %sign3A_391 : i32
      %sign3A_393 = arith.extui %sign3A_392 : i1 to i32
      %sign3A_394 = arith.constant 0 : i32
      %sign3A_395 = arith.cmpi slt, %add3A_388, %sign3A_394 : i32
      %sign3A_396 = arith.extui %sign3A_395 : i1 to i32
      %sign3A_397 = arith.subi %sign3A_393, %sign3A_396 : i32
      %sign3A_398 = arith.constant 0 : i32
      %sign3A_399 = arith.cmpi sgt, %jit3A_389, %sign3A_398 : i32
      %sign3A_400 = arith.extui %sign3A_399 : i1 to i32
      %sign3A_401 = arith.constant 0 : i32
      %sign3A_402 = arith.cmpi slt, %jit3A_389, %sign3A_401 : i32
      %sign3A_403 = arith.extui %sign3A_402 : i1 to i32
      %sign3A_404 = arith.subi %sign3A_400, %sign3A_403 : i32
      %ne3A_405 = arith.cmpi ne, %sign3A_397, %sign3A_404 : i32
      %rem3A_406 = arith.remsi %add3A_388, %jit3A_389 : i32
      %ne3A_407 = arith.constant 0 : i32
      %ne3A_408 = arith.cmpi ne, %rem3A_406, %ne3A_407 : i32
      %and3A_409 = arith.andi %ne3A_405, %ne3A_408 : i1
      %sub3A_410 = arith.constant 1 : i32
      %sub3A_411 = arith.subi %div3A_390, %sub3A_410 : i32
      %select_n3A_412 = arith.select %and3A_409, %sub3A_411, %div3A_390 : i32
      %jit3A_413 = arith.constant 256 : i32
      %eq3A_414 = arith.constant 0 : i32
      %eq3A_415 = arith.cmpi eq, %jit3A_413, %eq3A_414 : i32
      %jit3A_416 = arith.constant 1 : i32
      %select_n3A_417 = arith.select %eq3A_415, %jit3A_416, %jit3A_413 : i32
      %rem3A_418 = arith.remsi %add3A_388, %select_n3A_417 : i32
      %ne3A_419 = arith.constant 0 : i32
      %ne3A_420 = arith.cmpi ne, %rem3A_418, %ne3A_419 : i32
      %lt3A_421 = arith.constant 0 : i32
      %lt3A_422 = arith.cmpi slt, %rem3A_418, %lt3A_421 : i32
      %lt3A_423 = arith.constant 0 : i32
      %lt3A_424 = arith.cmpi slt, %select_n3A_417, %lt3A_423 : i32
      %ne3A_425 = arith.xori %lt3A_422, %lt3A_424 : i1
      %and3A_426 = arith.andi %ne3A_425, %ne3A_420 : i1
      %add3A_427 = arith.addi %rem3A_418, %select_n3A_417 : i32
      %select_n3A_428 = arith.select %and3A_426, %add3A_427, %rem3A_418 : i32
      %mul3A_429 = arith.constant 16 : i32
      %mul3A_430 = arith.muli %select_n3A_428, %mul3A_429 : i32
      %get3A_431 = arith.index_cast %select_n3A_412 : i32 to index
      %get3A_432 = arith.index_cast %mul3A_430 : i32 to index
      %get3A_433 = tpu.vector_load %arg8[%get3A_431, %get3A_432] {strides = array<i32>} : memref<4x4096xf32, #tpu.memory_space<vmem>>, vector<1x16xf32>,
      %get3A_434 = vector.shape_cast %get3A_433 : vector<1x16xf32> to vector<16xf32>
      %get3A_435 = arith.index_cast %select_n3A_412 : i32 to index
      %get3A_436 = arith.index_cast %mul3A_430 : i32 to index
      %get3A_437 = tpu.vector_load %arg5[%get3A_435, %get3A_436] {strides = array<i32>} : memref<4x4096xf32, #tpu.memory_space<vmem>>, vector<1x16xf32>,
      %get3A_438 = vector.shape_cast %get3A_437 : vector<1x16xf32> to vector<16xf32>
      %add3A_439 = arith.addf %get3A_434, %get3A_438 : vector<16xf32>
      %swap3A_440 = arith.index_cast %select_n3A_412 : i32 to index
      %swap3A_441 = arith.index_cast %mul3A_430 : i32 to index
      %swap3A_442 = tpu.vector_load %arg8[%swap3A_440, %swap3A_441] {strides = array<i32>} : memref<4x4096xf32, #tpu.memory_space<vmem>>, vector<1x16xf32>,
      %swap3A_443 = vector.shape_cast %swap3A_442 : vector<1x16xf32> to vector<16xf32>
      %swap3A_444 = vector.shape_cast %add3A_439 : vector<16xf32> to vector<1x16xf32>
      tpu.vector_store %arg8[%swap3A_440, %swap3A_441], %swap3A_444 {strides = array<i32>} : memref<4x4096xf32, #tpu.memory_space<vmem>>, vector<1x16xf32>,
      %mul3A_445 = arith.constant 8 : i32
      %mul3A_446 = arith.muli %scan3A_95, %mul3A_445 : i32
      %add3A_447 = arith.constant 6 : i32
      %add3A_448 = arith.addi %mul3A_446, %add3A_447 : i32
      %jit3A_449 = arith.constant 256 : i32
      %div3A_450 = arith.divsi %add3A_448, %jit3A_449 : i32
      %sign3A_451 = arith.constant 0 : i32
      %sign3A_452 = arith.cmpi sgt, %add3A_448, %sign3A_451 : i32
      %sign3A_453 = arith.extui %sign3A_452 : i1 to i32
      %sign3A_454 = arith.constant 0 : i32
      %sign3A_455 = arith.cmpi slt, %add3A_448, %sign3A_454 : i32
      %sign3A_456 = arith.extui %sign3A_455 : i1 to i32
      %sign3A_457 = arith.subi %sign3A_453, %sign3A_456 : i32
      %sign3A_458 = arith.constant 0 : i32
      %sign3A_459 = arith.cmpi sgt, %jit3A_449, %sign3A_458 : i32
      %sign3A_460 = arith.extui %sign3A_459 : i1 to i32
      %sign3A_461 = arith.constant 0 : i32
      %sign3A_462 = arith.cmpi slt, %jit3A_449, %sign3A_461 : i32
      %sign3A_463 = arith.extui %sign3A_462 : i1 to i32
      %sign3A_464 = arith.subi %sign3A_460, %sign3A_463 : i32
      %ne3A_465 = arith.cmpi ne, %sign3A_457, %sign3A_464 : i32
      %rem3A_466 = arith.remsi %add3A_448, %jit3A_449 : i32
      %ne3A_467 = arith.constant 0 : i32
      %ne3A_468 = arith.cmpi ne, %rem3A_466, %ne3A_467 : i32
      %and3A_469 = arith.andi %ne3A_465, %ne3A_468 : i1
      %sub3A_470 = arith.constant 1 : i32
      %sub3A_471 = arith.subi %div3A_450, %sub3A_470 : i32
      %select_n3A_472 = arith.select %and3A_469, %sub3A_471, %div3A_450 : i32
      %jit3A_473 = arith.constant 256 : i32
      %eq3A_474 = arith.constant 0 : i32
      %eq3A_475 = arith.cmpi eq, %jit3A_473, %eq3A_474 : i32
      %jit3A_476 = arith.constant 1 : i32
      %select_n3A_477 = arith.select %eq3A_475, %jit3A_476, %jit3A_473 : i32
      %rem3A_478 = arith.remsi %add3A_448, %select_n3A_477 : i32
      %ne3A_479 = arith.constant 0 : i32
      %ne3A_480 = arith.cmpi ne, %rem3A_478, %ne3A_479 : i32
      %lt3A_481 = arith.constant 0 : i32
      %lt3A_482 = arith.cmpi slt, %rem3A_478, %lt3A_481 : i32
      %lt3A_483 = arith.constant 0 : i32
      %lt3A_484 = arith.cmpi slt, %select_n3A_477, %lt3A_483 : i32
      %ne3A_485 = arith.xori %lt3A_482, %lt3A_484 : i1
      %and3A_486 = arith.andi %ne3A_485, %ne3A_480 : i1
      %add3A_487 = arith.addi %rem3A_478, %select_n3A_477 : i32
      %select_n3A_488 = arith.select %and3A_486, %add3A_487, %rem3A_478 : i32
      %mul3A_489 = arith.constant 16 : i32
      %mul3A_490 = arith.muli %select_n3A_488, %mul3A_489 : i32
      %get3A_491 = arith.index_cast %select_n3A_472 : i32 to index
      %get3A_492 = arith.index_cast %mul3A_490 : i32 to index
      %get3A_493 = tpu.vector_load %arg8[%get3A_491, %get3A_492] {strides = array<i32>} : memref<4x4096xf32, #tpu.memory_space<vmem>>, vector<1x16xf32>,
      %get3A_494 = vector.shape_cast %get3A_493 : vector<1x16xf32> to vector<16xf32>
      %get3A_495 = arith.index_cast %select_n3A_472 : i32 to index
      %get3A_496 = arith.index_cast %mul3A_490 : i32 to index
      %get3A_497 = tpu.vector_load %arg5[%get3A_495, %get3A_496] {strides = array<i32>} : memref<4x4096xf32, #tpu.memory_space<vmem>>, vector<1x16xf32>,
      %get3A_498 = vector.shape_cast %get3A_497 : vector<1x16xf32> to vector<16xf32>
      %add3A_499 = arith.addf %get3A_494, %get3A_498 : vector<16xf32>
      %swap3A_500 = arith.index_cast %select_n3A_472 : i32 to index
      %swap3A_501 = arith.index_cast %mul3A_490 : i32 to index
      %swap3A_502 = tpu.vector_load %arg8[%swap3A_500, %swap3A_501] {strides = array<i32>} : memref<4x4096xf32, #tpu.memory_space<vmem>>, vector<1x16xf32>,
      %swap3A_503 = vector.shape_cast %swap3A_502 : vector<1x16xf32> to vector<16xf32>
      %swap3A_504 = vector.shape_cast %add3A_499 : vector<16xf32> to vector<1x16xf32>
      tpu.vector_store %arg8[%swap3A_500, %swap3A_501], %swap3A_504 {strides = array<i32>} : memref<4x4096xf32, #tpu.memory_space<vmem>>, vector<1x16xf32>,
      %mul3A_505 = arith.constant 8 : i32
      %mul3A_506 = arith.muli %scan3A_95, %mul3A_505 : i32
      %add3A_507 = arith.constant 7 : i32
      %add3A_508 = arith.addi %mul3A_506, %add3A_507 : i32
      %jit3A_509 = arith.constant 256 : i32
      %div3A_510 = arith.divsi %add3A_508, %jit3A_509 : i32
      %sign3A_511 = arith.constant 0 : i32
      %sign3A_512 = arith.cmpi sgt, %add3A_508, %sign3A_511 : i32
      %sign3A_513 = arith.extui %sign3A_512 : i1 to i32
      %sign3A_514 = arith.constant 0 : i32
      %sign3A_515 = arith.cmpi slt, %add3A_508, %sign3A_514 : i32
      %sign3A_516 = arith.extui %sign3A_515 : i1 to i32
      %sign3A_517 = arith.subi %sign3A_513, %sign3A_516 : i32
      %sign3A_518 = arith.constant 0 : i32
      %sign3A_519 = arith.cmpi sgt, %jit3A_509, %sign3A_518 : i32
      %sign3A_520 = arith.extui %sign3A_519 : i1 to i32
      %sign3A_521 = arith.constant 0 : i32
      %sign3A_522 = arith.cmpi slt, %jit3A_509, %sign3A_521 : i32
      %sign3A_523 = arith.extui %sign3A_522 : i1 to i32
      %sign3A_524 = arith.subi %sign3A_520, %sign3A_523 : i32
      %ne3A_525 = arith.cmpi ne, %sign3A_517, %sign3A_524 : i32
      %rem3A_526 = arith.remsi %add3A_508, %jit3A_509 : i32
      %ne3A_527 = arith.constant 0 : i32
      %ne3A_528 = arith.cmpi ne, %rem3A_526, %ne3A_527 : i32
      %and3A_529 = arith.andi %ne3A_525, %ne3A_528 : i1
      %sub3A_530 = arith.constant 1 : i32
      %sub3A_531 = arith.subi %div3A_510, %sub3A_530 : i32
      %select_n3A_532 = arith.select %and3A_529, %sub3A_531, %div3A_510 : i32
      %jit3A_533 = arith.constant 256 : i32
      %eq3A_534 = arith.constant 0 : i32
      %eq3A_535 = arith.cmpi eq, %jit3A_533, %eq3A_534 : i32
      %jit3A_536 = arith.constant 1 : i32
      %select_n3A_537 = arith.select %eq3A_535, %jit3A_536, %jit3A_533 : i32
      %rem3A_538 = arith.remsi %add3A_508, %select_n3A_537 : i32
      %ne3A_539 = arith.constant 0 : i32
      %ne3A_540 = arith.cmpi ne, %rem3A_538, %ne3A_539 : i32
      %lt3A_541 = arith.constant 0 : i32
      %lt3A_542 = arith.cmpi slt, %rem3A_538, %lt3A_541 : i32
      %lt3A_543 = arith.constant 0 : i32
      %lt3A_544 = arith.cmpi slt, %select_n3A_537, %lt3A_543 : i32
      %ne3A_545 = arith.xori %lt3A_542, %lt3A_544 : i1
      %and3A_546 = arith.andi %ne3A_545, %ne3A_540 : i1
      %add3A_547 = arith.addi %rem3A_538, %select_n3A_537 : i32
      %select_n3A_548 = arith.select %and3A_546, %add3A_547, %rem3A_538 : i32
      %mul3A_549 = arith.constant 16 : i32
      %mul3A_550 = arith.muli %select_n3A_548, %mul3A_549 : i32
      %get3A_551 = arith.index_cast %select_n3A_532 : i32 to index
      %get3A_552 = arith.index_cast %mul3A_550 : i32 to index
      %get3A_553 = tpu.vector_load %arg8[%get3A_551, %get3A_552] {strides = array<i32>} : memref<4x4096xf32, #tpu.memory_space<vmem>>, vector<1x16xf32>,
      %get3A_554 = vector.shape_cast %get3A_553 : vector<1x16xf32> to vector<16xf32>
      %get3A_555 = arith.index_cast %select_n3A_532 : i32 to index
      %get3A_556 = arith.index_cast %mul3A_550 : i32 to index
      %get3A_557 = tpu.vector_load %arg5[%get3A_555, %get3A_556] {strides = array<i32>} : memref<4x4096xf32, #tpu.memory_space<vmem>>, vector<1x16xf32>,
      %get3A_558 = vector.shape_cast %get3A_557 : vector<1x16xf32> to vector<16xf32>
      %add3A_559 = arith.addf %get3A_554, %get3A_558 : vector<16xf32>
      %swap3A_560 = arith.index_cast %select_n3A_532 : i32 to index
      %swap3A_561 = arith.index_cast %mul3A_550 : i32 to index
      %swap3A_562 = tpu.vector_load %arg8[%swap3A_560, %swap3A_561] {strides = array<i32>} : memref<4x4096xf32, #tpu.memory_space<vmem>>, vector<1x16xf32>,
      %swap3A_563 = vector.shape_cast %swap3A_562 : vector<1x16xf32> to vector<16xf32>
      %swap3A_564 = vector.shape_cast %add3A_559 : vector<16xf32> to vector<1x16xf32>
      tpu.vector_store %arg8[%swap3A_560, %swap3A_561], %swap3A_564 {strides = array<i32>} : memref<4x4096xf32, #tpu.memory_space<vmem>>, vector<1x16xf32>,
      %scan3A_565 = arith.constant 0 : i32
      scf.yield %scan3A_565 : i32
    }
    %scan3A_58 = arith.constant 128 : i32
    %add3A_59 = arith.constant 252 : i32
    %add3A_60 = arith.addi %mul3A_2, %add3A_59 : i32
    %dma_start3A_61 = arith.constant 0 : i32
    %dma_start3A_62 = arith.constant 0 : i32
    %dma_start3A_63 = tpu.memref_slice %arg4[%dma_start3A_61, %add3A_60, %dma_start3A_62] : memref<1x8192x4096xf32, #tpu.memory_space<hbm>> -> memref<1x4x4096xf32, #tpu.memory_space<hbm>>
    %dma_start3A_64 = tpu.memref_squeeze %dma_start3A_63 : memref<1x4x4096xf32, #tpu.memory_space<hbm>> -> memref<4x4096xf32, #tpu.memory_space<hbm>>
    %dma_start3A_65 = arith.constant 0 : i32
    %dma_start3A_66 = tpu.memref_slice %arg4[%dma_start3A_61, %add3A_60, %dma_start3A_65] : memref<1x8192x4096xf32, #tpu.memory_space<hbm>> -> memref<1x4x4096xf32, #tpu.memory_space<hbm>>
    %dma_start3A_67 = tpu.memref_squeeze %dma_start3A_66 : memref<1x4x4096xf32, #tpu.memory_space<hbm>> -> memref<4x4096xf32, #tpu.memory_space<hbm>>
    tpu.enqueue_dma source(%arg8 : memref<4x4096xf32, #tpu.memory_space<vmem>>) target(%dma_start3A_67 : memref<4x4096xf32, #tpu.memory_space<hbm>>) target_semaphore(%arg17 : memref<!tpu.dma_semaphore, #tpu.memory_space<semaphore_mem>>)
    %add3A_68 = arith.constant 244 : i32
    %add3A_69 = arith.addi %mul3A_2, %add3A_68 : i32
    %dma_wait3A_70 = arith.constant 0 : i32
    %dma_wait3A_71 = arith.constant 0 : i32
    %dma_wait3A_72 = tpu.memref_slice %arg4[%dma_wait3A_70, %add3A_69, %dma_wait3A_71] : memref<1x8192x4096xf32, #tpu.memory_space<hbm>> -> memref<1x4x4096xf32, #tpu.memory_space<hbm>>
    %dma_wait3A_73 = tpu.memref_squeeze %dma_wait3A_72 : memref<1x4x4096xf32, #tpu.memory_space<hbm>> -> memref<4x4096xf32, #tpu.memory_space<hbm>>
    %dma_wait3A_74 = arith.constant 0 : i32
    %dma_wait3A_75 = tpu.memref_slice %arg4[%dma_wait3A_70, %add3A_69, %dma_wait3A_74] : memref<1x8192x4096xf32, #tpu.memory_space<hbm>> -> memref<1x4x4096xf32, #tpu.memory_space<hbm>>
    %dma_wait3A_76 = tpu.memref_squeeze %dma_wait3A_75 : memref<1x4x4096xf32, #tpu.memory_space<hbm>> -> memref<4x4096xf32, #tpu.memory_space<hbm>>
    tpu.wait_dma2 semaphore(%arg18 : memref<!tpu.dma_semaphore, #tpu.memory_space<semaphore_mem>>) src(%arg9 : memref<4x4096xf32, #tpu.memory_space<vmem>>) dst(%dma_wait3A_76 : memref<4x4096xf32, #tpu.memory_space<hbm>>)
    %add3A_77 = arith.constant 248 : i32
    %add3A_78 = arith.addi %mul3A_2, %add3A_77 : i32
    %dma_wait3A_79 = arith.constant 0 : i32
    %dma_wait3A_80 = arith.constant 0 : i32
    %dma_wait3A_81 = tpu.memref_slice %arg4[%dma_wait3A_79, %add3A_78, %dma_wait3A_80] : memref<1x8192x4096xf32, #tpu.memory_space<hbm>> -> memref<1x4x4096xf32, #tpu.memory_space<hbm>>
    %dma_wait3A_82 = tpu.memref_squeeze %dma_wait3A_81 : memref<1x4x4096xf32, #tpu.memory_space<hbm>> -> memref<4x4096xf32, #tpu.memory_space<hbm>>
    %dma_wait3A_83 = arith.constant 0 : i32
    %dma_wait3A_84 = tpu.memref_slice %arg4[%dma_wait3A_79, %add3A_78, %dma_wait3A_83] : memref<1x8192x4096xf32, #tpu.memory_space<hbm>> -> memref<1x4x4096xf32, #tpu.memory_space<hbm>>
    %dma_wait3A_85 = tpu.memref_squeeze %dma_wait3A_84 : memref<1x4x4096xf32, #tpu.memory_space<hbm>> -> memref<4x4096xf32, #tpu.memory_space<hbm>>
    tpu.wait_dma2 semaphore(%arg19 : memref<!tpu.dma_semaphore, #tpu.memory_space<semaphore_mem>>) src(%arg10 : memref<4x4096xf32, #tpu.memory_space<vmem>>) dst(%dma_wait3A_85 : memref<4x4096xf32, #tpu.memory_space<hbm>>)
    %add3A_86 = arith.constant 252 : i32
    %add3A_87 = arith.addi %mul3A_2, %add3A_86 : i32
    %dma_wait3A_88 = arith.constant 0 : i32
    %dma_wait3A_89 = arith.constant 0 : i32
    %dma_wait3A_90 = tpu.memref_slice %arg4[%dma_wait3A_88, %add3A_87, %dma_wait3A_89] : memref<1x8192x4096xf32, #tpu.memory_space<hbm>> -> memref<1x4x4096xf32, #tpu.memory_space<hbm>>
    %dma_wait3A_91 = tpu.memref_squeeze %dma_wait3A_90 : memref<1x4x4096xf32, #tpu.memory_space<hbm>> -> memref<4x4096xf32, #tpu.memory_space<hbm>>
    %dma_wait3A_92 = arith.constant 0 : i32
    %dma_wait3A_93 = tpu.memref_slice %arg4[%dma_wait3A_88, %add3A_87, %dma_wait3A_92] : memref<1x8192x4096xf32, #tpu.memory_space<hbm>> -> memref<1x4x4096xf32, #tpu.memory_space<hbm>>
    %dma_wait3A_94 = tpu.memref_squeeze %dma_wait3A_93 : memref<1x4x4096xf32, #tpu.memory_space<hbm>> -> memref<4x4096xf32, #tpu.memory_space<hbm>>
    tpu.wait_dma2 semaphore(%arg17 : memref<!tpu.dma_semaphore, #tpu.memory_space<semaphore_mem>>) src(%arg8 : memref<4x4096xf32, #tpu.memory_space<vmem>>) dst(%dma_wait3A_94 : memref<4x4096xf32, #tpu.memory_space<hbm>>)
    return
  }
}

module attributes {stable_mosaic.version = 14 : i64} {
  func.func @_tc_body(%arg0: i32, %arg1: memref<3x128x4096xf32, #tpu.memory_space<vmem>>, %arg2: memref<128x4096xf32, #tpu.memory_space<vmem>>, %arg3: memref<3x128x4096xf32, #tpu.memory_space<vmem>>) attributes {dimension_semantics = [#tpu.dimension_semantics<parallel>], iteration_bounds = array<i64: 64>, scalar_prefetch = 0 : i64, scratch_operands = 0 : i64, tpu.core_type = #tpu.core_type<tc>, window_params = [{transform_indices = @transform_0, window_bounds = array<i64: 3, 128, 4096>}, {transform_indices = @transform_1, window_bounds = array<i64: 128, 4096>}, {transform_indices = @transform_2, window_bounds = array<i64: 3, 128, 4096>}]} {
    %get3A = arith.constant 0 : index
    %get3A_0 = arith.constant 0 : index
    %get3A_1 = arith.constant 0 : index
    %get3A_2 = vector.load %arg1[%get3A, %get3A_0, %get3A_1] : memref<3x128x4096xf32, #tpu.memory_space<vmem>>, vector<3x128x4096xf32>
    %get3A_3 = arith.constant 0 : index
    %get3A_4 = arith.constant 0 : index
    %get3A_5 = vector.load %arg2[%get3A_3, %get3A_4] : memref<128x4096xf32, #tpu.memory_space<vmem>>, vector<128x4096xf32>
    %broadcast_in_dim3A = vector.shape_cast %get3A_5 : vector<128x4096xf32> to vector<1x128x4096xf32>
    %add3A = vector.broadcast %broadcast_in_dim3A : vector<1x128x4096xf32> to vector<3x128x4096xf32>
    %add3A_6 = arith.addf %get3A_2, %add3A : vector<3x128x4096xf32>
    %swap3A = arith.constant 0 : index
    %swap3A_7 = arith.constant 0 : index
    %swap3A_8 = arith.constant 0 : index
    %swap3A_9 = vector.load %arg3[%swap3A, %swap3A_7, %swap3A_8] : memref<3x128x4096xf32, #tpu.memory_space<vmem>>, vector<3x128x4096xf32>
    tpu.vector_store %arg3[%swap3A, %swap3A_7, %swap3A_8], %add3A_6 {strides = array<i32>} : memref<3x128x4096xf32, #tpu.memory_space<vmem>>, vector<3x128x4096xf32>,
    return
  }
  func.func @transform_0(%arg0: i32) -> (i32, i32, i32) {
    %c0_i32 = arith.constant 0 : i32
    %c0_i32_0 = arith.constant 0 : i32
    %c0_i32_1 = arith.constant 0 : i32
    return %c0_i32, %arg0, %c0_i32_0 : i32, i32, i32
  }
  func.func @transform_1(%arg0: i32) -> (i32, i32) {
    %c0_i32 = arith.constant 0 : i32
    %c0_i32_0 = arith.constant 0 : i32
    return %arg0, %c0_i32 : i32, i32
  }
  func.func @transform_2(%arg0: i32) -> (i32, i32, i32) {
    %c0_i32 = arith.constant 0 : i32
    %c0_i32_0 = arith.constant 0 : i32
    %c0_i32_1 = arith.constant 0 : i32
    return %c0_i32, %arg0, %c0_i32_0 : i32, i32, i32
  }
}

</mosaic_0001>

<sc_bundles>
// kernel: _pos_add.4.cloned.1.call-start
scs
__scs_entry_jumppad:
0x0: {  	(pc) =	sbr.rel $0x88, $3  }
0x1: {  	(tag) =	ssettag $0x0;
	lr =	simm.s32 $0x1  }
0x2: {  	[smem:$0x3F9F] =	sst lr;
	_ =	strace $0xD0000000  }
0x3: {  	_ = 	snop  }
0x4: {  	_ = 	snop  }
0x5: {  	_ = 	snop  }
0x6: {  	_ = 	snop  }
0x7: {  	_ = 	snop  }
__scs_overlays_trampoline_lowered:
0x8: {  	[smem:$0x3FAE] =	sst s0  }
0x9: {  	[smem:$0x3FAF] =	sst s1  }
0xa: {  	[smem:$0x3FB0] =	sst s2  }
0xb: {  	[smem:$0x3FB1] =	sst s3  }
0xc: {  	[smem:$0x3FB2] =	sst s4  }
0xd: {  	[smem:$0x3FB3] =	sst s5  }
0xe: {  	[smem:$0x3FB4] =	sst s6  }
0xf: {  	[smem:$0x3FB5] =	sst s7  }
0x10: {  	[smem:$0x3FB6] =	sst s8  }
0x11: {  	[smem:$0x3FB7] =	sst s9;
	s0 =	simm.s32 @!p0 $0x0  }
0x12: {  	s1 =	sld [smem:$0x3F9D];
	s0 =	simm.s32 @p0 $0x1  }
0x13: {  	[smem:$0x3FB8] =	sst s0;
	s0 =	simm.s32 @!p1 $0x0  }
0x14: {  	s2 =	sld [smem:$0x3F9C];
	s0 =	simm.s32 @p1 $0x1  }
0x15: {  	[smem:$0x3FB9] =	sst s0;
	s0 =	simm.s32 @!p2 $0x0  }
0x16: {  	s3 =	sld [smem:$0x3FDB];
	s0 =	simm.s32 @p2 $0x1  }
0x17: {  	s4 =	simm.s32 $0x1BF5;
	[smem:$0x3FBB] =	sst s0  }
0x18: {  	s0 =	sld [smem:$0x3F9E];
	_ =	swait.ge [sflag:s4], $0x0  }
0x19: {  	s7 =	sld [smem:$0x3F9F]  }
0x1a: {  	s8 =	sadd.s32 $0xFFFFE003, lr  }
0x1b: {  	s9 =	sadd.s32 $0xFFFFFEF7, lr;
	s5 =	simm.s32 $0xFFFFFFFF;
	p2 =	slt.u32 s8, $0xFFFFF086  }
0x1c: {  	p1 =	slt.u32 s9, $0xF7A;
	s5 =	simm.s32 @!p2 $0x0  }
0x1d: {  	s5 =	simm.s32 @p1 $0x1;
	p0 =	seq.s32 s7, s2  }
0x1e: {  	s7 =	smul.u32 @!p0 $0xF7A, s2;
	p2 =	seq.s32 @!p0 s5, $0x0  }
0x1f: {  	s9 =	smul.u32 $0xF7A, s1;
	s8 =	simm.s32 @!p0 $0x1BF5;
	p2 =	por !p2, p0  }
0x20: {  	[sflag:s8] =	ssyncset.s32 @!p0 $0xFFFFF086;
	s6 =	sadd.s32 @!p0 s3, s7;
	s7 =	simm.s32 @!p0 $0x108  }
0x21: {  	s3 =	sadd.s32 s3, s9;
	s6 =	sadd.s32 @!p0 $0x88, s6;
	s7 =	simm.s32 @p2 $0x1082  }
0x22: {  	[simem:s7], [sflag:s8] =	dma.local @!p0 [hbm:s6], $0xF7A  }
0x23: {  	s9 =	sor.u32 $0xD0000000, s2;
	s6 =	simm.s32 $0x108;
	_ =	swait.ge @!p0 [sflag:s8], $0x0  }
0x24: {  	s3 =	sadd.s32 $0x88, s3;
	s6 =	simm.s32 @!p1 $0x1082;
	[sflag:s4] =	ssyncset.s32 $0xFFFFF086  }
0x25: {  	[simem:s6], [sflag:s4] =	dma.local [hbm:s3], $0xF7A  }
0x26: {  	[smem:$0x3F9F] =	sst s1;
	(tag) =	ssettag s2;
	_ =	strace s9  }
0x27: {  	s1 =	sld [smem:$0x3FAF]  }
0x28: {  	s2 =	sld [smem:$0x3FB0]  }
0x29: {  	s4 =	sld [smem:$0x3FB2]  }
0x2a: {  	p0 =	seq.s32 s5, $0x0;
	s5 =	sld [smem:$0x3FB3]  }
0x2b: {  	s6 =	sld [smem:$0x3FB4]  }
0x2c: {  	s7 =	sld [smem:$0x3FB5]  }
0x2d: {  	s3 =	simm.s32 $0x108;
	s8 =	sld [smem:$0x3FB6]  }
0x2e: {  	s3 =	simm.s32 @!p0 $0x1082;
	s9 =	sld [smem:$0x3FB7]  }
0x2f: {  	lr =	sadd.s32 s0, s3;
	s0 =	sld [smem:$0x3FAE]  }
0x30: {  	s3 =	sld [smem:$0x3FB1]  }
0x31: {  	[smem:$0x3FBA] =	sst s10  }
0x32: {  	s10 =	sld [smem:$0x3FB8];
	_ =	sdelay $0x3  }
0x33: {  	p0 =	seq.s32 s10, $0x1;
	s10 =	sld [smem:$0x3FBA];
	_ =	sdelay $0x3  }
0x34: {  	[smem:$0x3FBA] =	sst s10  }
0x35: {  	s10 =	sld [smem:$0x3FB9];
	_ =	sdelay $0x3  }
0x36: {  	p1 =	seq.s32 s10, $0x1;
	s10 =	sld [smem:$0x3FBA];
	_ =	sdelay $0x3  }
0x37: {  	[smem:$0x3FBA] =	sst s10  }
0x38: {  	s10 =	sld [smem:$0x3FBB]  }
0x39: {  	_ = 	snop;
	(pc) =	sbr.ind lr, $3  }
0x3a: {  	_ = 	snop  }
0x3b: {  	_ = 	snop  }
0x3c: {  	p2 =	seq.s32 s10, $0x1;
	s10 =	sld [smem:$0x3FBA]  }
0x3d: {  	_ =	shalt  }
0x3e: {  	_ =	shalt  }
0x3f: {  	_ =	shalt  }
0x40: {  	_ =	shalt  }
0x41: {  	_ =	shalt  }
0x42: {  	_ =	shalt  }
0x43: {  	_ =	shalt  }
0x44: {  	_ =	shalt  }
0x45: {  	_ =	shalt  }
0x46: {  	_ =	shalt  }
0x47: {  	_ =	shalt  }
0x48: {  	_ =	shalt  }
0x49: {  	_ =	shalt  }
0x4a: {  	_ =	shalt  }
0x4b: {  	_ =	shalt  }
0x4c: {  	_ =	shalt  }
0x4d: {  	_ =	shalt  }
0x4e: {  	_ =	shalt  }
0x4f: {  	_ =	shalt  }
0x50: {  	_ =	shalt  }
0x51: {  	_ =	shalt  }
0x52: {  	_ =	shalt  }
0x53: {  	_ =	shalt  }
0x54: {  	_ =	shalt  }
0x55: {  	_ =	shalt  }
0x56: {  	_ =	shalt  }
0x57: {  	_ =	shalt  }
0x58: {  	_ =	shalt  }
0x59: {  	_ =	shalt  }
0x5a: {  	_ =	shalt  }
0x5b: {  	_ =	shalt  }
0x5c: {  	_ =	shalt  }
0x5d: {  	_ =	shalt  }
0x5e: {  	_ =	shalt  }
0x5f: {  	_ =	shalt  }
0x60: {  	_ =	shalt  }
0x61: {  	_ =	shalt  }
0x62: {  	_ =	shalt  }
0x63: {  	_ =	shalt  }
0x64: {  	_ =	shalt  }
0x65: {  	_ =	shalt  }
0x66: {  	_ =	shalt  }
0x67: {  	_ =	shalt  }
0x68: {  	_ =	shalt  }
0x69: {  	_ =	shalt  }
0x6a: {  	_ =	shalt  }
0x6b: {  	_ =	shalt  }
0x6c: {  	_ =	shalt  }
0x6d: {  	_ =	shalt  }
0x6e: {  	_ =	shalt  }
0x6f: {  	_ =	shalt  }
0x70: {  	_ =	shalt  }
0x71: {  	_ =	shalt  }
0x72: {  	_ =	shalt  }
0x73: {  	_ =	shalt  }
0x74: {  	_ =	shalt  }
0x75: {  	_ =	shalt  }
0x76: {  	_ =	shalt  }
0x77: {  	_ =	shalt  }
0x78: {  	_ =	shalt  }
0x79: {  	_ =	shalt  }
0x7a: {  	_ =	shalt  }
0x7b: {  	_ =	shalt  }
0x7c: {  	_ =	shalt  }
0x7d: {  	_ =	shalt  }
0x7e: {  	_ =	shalt  }
0x7f: {  	_ =	shalt  }
0x80: {  	_ =	shalt  }
0x81: {  	_ =	shalt  }
0x82: {  	_ =	shalt  }
0x83: {  	_ =	shalt  }
0x84: {  	_ =	shalt  }
0x85: {  	_ =	shalt  }
0x86: {  	_ =	shalt  }
0x87: {  	_ =	shalt  }
.Lfunc_end0:
.L_simem_size_0:
called_computation_lowered:
.L_overlay_start_0:
0x88: {  	s2 =	sld [smem:$0x3FD9]  }
0x89: {  	s3 =	sld [smem:$0x3FFE];
	_ =	sdelay $0x1  }
0x8a: {  	s1 =	srdreg.scid  }
0x8b: {  	s0 =	sand.u32 $0x1, s1  }
0x8c: {  	s17 =	sshll.u32 s0, $0xA;
	s2 =	sadd.s32 s3, s2  }
0x8d: {  	s2 =	sadd.s32 s2, s17  }
0x8e: {  	[smem:$0x3FC6] =	sst s2  }
0x8f: {  	_ = 	snop  }
0x90: {  	s2 =	sld [smem:$0x3FC9]  }
0x91: {  	s18 =	sld [smem:$0x3FC8];
	(tm) =	ssettm $0x1  }
0x92: {  	s4 =	sld [smem:$0x3FFB];
	_ =	sdelay $0x3  }
0x93: {  	_ =	strace s4  }
0x94: {  	s4 =	sld [smem:$0x3FFC];
	_ =	sdelay $0x3  }
0x95: {  	_ =	strace s4  }
0x96: {  	s4 =	sld [smem:$0x3FFD];
	_ =	sdelay $0x3  }
0x97: {  	_ =	strace s4  }
0x98: {  	_ =	strace $0x8FFFFFFF  }
0x99: {  	s19 =	sld [smem:$0x3FDB];
	_ =	sdelay $0x1  }
0x9a: {  	s5 =	simm.s32 $_scs_section_size  }
0x9b: {  	s6 =	simm.s32 $_size__tile_overlayer_lowered;
	s7 =	simm.s32 $_tile_overlayer_lowered  }
0x9c: {  	s22 =	simm.s32 $0x1BFF;
	s21 =	sshll.u32 s7, $0x1;
	s4 =	sadd.s32 s5, s19  }
0x9d: {  	s8 =	simm.s32 $0x0;
	s20 =	sshll.u32 s6, $0x1;
	s6 =	sadd.s32 s21, s4  }
0x9e: {  	[timem:s8], [sflag:s22] =	dma.local [hbm:s6], s20  }
0x9f: {  	_ =	swait.ge [sflag:s22], s20  }
0xa0: {  	s5 =	ssub.s32 $0x0, s20;
	[sflag:s22] =	ssyncset.done $0x0  }
0xa1: {  	[sflag:s22] =	ssyncadd.s32 s5;
	_ =	sdelay $0x1  }
0xa2: {  	s23 =	simm.s32 $0x1B8B  }
0xa3: {  	_ =	swait.ge [sflag:s23], $0x1  }
0xa4: {  	[sflag:s23] =	ssyncset.done $0x0  }
0xa5: {  	s25 =	simm.s32 $0x1B8E;
	s24 =	sld [smem:$0x3FFE];
	[sflag:s23] =	ssyncadd.s32 $0xFFFFFFFF  }
0xa6: {  	s26 =	simm.s32 $execute0_lowered;
	[smem:$0x3FD2] =	sst s25  }
0xa7: {  	s6 =	sshll.u32 s26, $0x1;
	_ =	strace $0x80000046;
	[dreg:$0x1] =	wrdreg $0xFFFFFFFF  }
0xa8: {  	s28 =	simm.s32 $_size_execute0_lowered;
	s4 =	sadd.s32 s4, s6;
	[dreg:$0x0] =	wrdreg $0x0  }
0xa9: {  	s6 =	sshll.u32 s28, $0x1;
	[dreg:$0x2] =	wrdreg s4  }
0xaa: {  	[dreg:$0x3] =	wrdreg s6  }
0xab: {  	[dreg:$0x4] =	wrdreg $0xC0  }
0xac: {  	_ =	task [dreg:s8], $0x5FFFF  }
0xad: {  	[dreg:$0x1] =	wrdreg $0xFFFFFFFF  }
0xae: {  	[dreg:$0x0] =	wrdreg $0x60  }
0xaf: {  	[dreg:$0x2] =	wrdreg s2  }
0xb0: {  	[dreg:$0x3] =	wrdreg s18  }
0xb1: {  	[dreg:$0x4] =	wrdreg s24  }
0xb2: {  	[dreg:$0x5] =	wrdreg $0x9  }
0xb3: {  	_ =	task.clear_ibuf [dreg:s8], $0x6FFFF;
	_ =	strace $0x90000046  }
0xb4: {  	s29 =	simm.s32 $0x9;
	_ =	strace $0x80000048  }
0xb5: {  	_ =	swait.ge [sflag:s29], $0x1  }
0xb6: {  	[sflag:s29] =	ssyncadd.s32 $0xFFFFFFFF  }
0xb7: {  	_ =	strace $0x90000048  }
0xb8: {  	_ =	sfence  }
0xb9: {  	s30 =	sld [smem:$0x0];
	_ =	sdelay $0x2  }
0xba: {  	s31 =	sshll.u32 s1, $0xD;
	s1 =	sshrl.u32 s1, $0x2  }
0xbb: {  	s3 =	sand.u32 $0x4000, s31;
	s1 =	sadd.s32 s1, s30  }
0xbc: {  	s0 =	sor.u32 s3, s0;
	s1 =	sshll.u32 s1, $0x11  }
0xbd: {  	s0 =	sor.u32 s1, s0  }
0xbe: {  	s0 =	sadd.s32 $0x8F2B, s0  }
0xbf: {  	[sflag:s0] =	ssyncadd.remote.s32 $0x1  }
0xc0: {  	_ =	sfence.sel $0xFFFF  }
0xc1: {  	[dreg:$0x0] =	wrdreg $0xFFFFFFFF;
	(pc) =	sbr.abs _section_cstart, $3  }
0xc2: {  	[dreg:$0x1] =	wrdreg $0xFFFFFFFF  }
0xc3: {  	_ =	task.clear_ibuf [dreg:s8], $0x2FFFF;
	_ =	strace $0x9FFFFFFF  }
0xc4: {  	(tm) =	ssettm $0x7FFFFFFF  }
0xc5: {  	_ =	shalt  }
tec
execute0_lowered:
.L_overlay_start_1:
0x0: {  	(tag) =	ssettag $0x1  }
0x1: {  	s1 =	rddreg [dreg:$0x0]  }
0x2: {  	s3 =	rddreg [dreg:$0x1]  }
0x3: {  	s0 =	rddreg [dreg:$0x2]  }
0x4: {  	s2 =	srdreg.scid;
	s4 =	stileid.u32;
	s6 =	simm.s32 $0x0  }
0x5: {  	s18 =	simm.s32 $0x200;
	s19 =	simm.s32 $0x400;
	s28 =	simm.s32 $0x2  }
0x6: {  	s29 =	simm.s32 $0x5;
	s30 =	simm.s32 $0x3;
	s31 =	simm.s32 $0x6  }
0x7: {  	s2 =	sand.u32 $0x1, s2;
	s4 =	sshll.u32 s4, $0x9;
	[smem:$0x7FF] =	sst s6  }
0x8: {  	s7 =	sadd.s32 $0x400, s0;
	s5 =	sshll.u32 s2, $0x8;
	s2 =	ssub.s32 $0x2, s2  }
0x9: {  	_ =	strace $0x80000047;
	s5 =	sor.u32 s5, s4;
	s20 =	sshrl.u32 s2, $0x1  }
0xa: {  	s4 =	simm.s32 $0x0;
	s6 =	sshll.u32 s5, $0x9;
	s21 =	ssub.s32 s2, s20  }
0xb: {  	s9 =	sshll.u32 s5, $0xC;
	s15 =	sor.u32 $0x10, s5;
	s20 =	simm.s32 $0xC000  }
0xc: {  	s22 =	sadd.s32 s6, s1;
	s23 =	sadd.s32 s3, s6;
	s26 =	sadd.s32 s6, s7  }
0xd: {  	s0 =	smax.u32 s21, $0x1;
	s8 =	sadd.s32 $0xC00000, s22;
	[dreg:$0x4] =	wrdreg s23  }
0xe: {  	s24 =	sadd.s32 $0x40, s23;
	s25 =	sadd.s32 $0xC00040, s22;
	[dreg:$0x9] =	wrdreg s0  }
0xf: {  	s13 =	sadd.s32 $0x1000, s23;
	s14 =	sadd.s32 $0xC01000, s22;
	[dreg:$0x5] =	wrdreg s8  }
0x10: {  	s2 =	sadd.s32 $0x1F040, s26;
	s22 =	simm.s32 $0x10000;
	[dreg:$0x6] =	wrdreg s24  }
0x11: {  	s23 =	simm.s32 $0x14000;
	s26 =	simm.s32 $0x7;
	[dreg:$0x7] =	wrdreg s25  }
0x12: {  	[dreg:$0x8] =	wrdreg s2;
	s24 =	simm.s32 $0x1;
	s25 =	simm.s32 $0x4  }
.LBB2_1:
0x13: {  	s0 =	simm.s32 $0x0;
	s2 =	rddreg [dreg:$0x4]  }
0x14: {  	[tilespmem:s0], [sflag:$0x1] =	stream.strided.gather [hbm4b:s2+s18], $0x4000, s19, s18, $0x38;
	[tilespmem:$0x18000] =	vst v63  }
0x15: {  	s12 =	rddreg [dreg:$0x5]  }
0x16: {  	[tilespmem:s20], [sflag:$0x4] =	stream.strided.gather [hbm4b:s12+s18], $0x4000, s19, s18, $0x38;
	[tilespmem:$0x18000] =	vst v63  }
0x17: {  	s16 =	rddreg [dreg:$0x6];
	s17 =	simm.s32 $0x4000  }
0x18: {  	[tilespmem:s17], [sflag:$0x2] =	stream.strided.gather [hbm4b:s16+s18], $0x4000, s19, s18, $0x38;
	[tilespmem:$0x18000] =	vst v63  }
0x19: {  	s21 =	rddreg [dreg:$0x7]  }
0x1a: {  	[tilespmem:s22], [sflag:$0x5] =	stream.strided.gather [hbm4b:s21+s18], $0x4000, s19, s18, $0x38;
	[tilespmem:$0x18000] =	vst v63  }
0x1b: {  	s21 =	simm.s32 $0x0  }
.LBB2_2:
0x1c: {  	s16 =	smul.u32 $0x3, s21;
	p0 =	seq.s32 s21, $0x0  }
0x1d: {  	s8 =	simm.s32 @p0 $0x200  }
0x1e: {  	s11 =	simm.s32 @p0 $0x400;
	s12 =	simm.s32 @p0 $0x8000;
	s10 =	sadd.s32 $0x2, s16  }
0x1f: {  	[tilespmem:s12], [sflag:$0x3] =	stream.strided.gather @p0 [hbm4b:s13+s8], $0x4000, s11, s8, $0x38;
	[tilespmem:$0x18000] =	vst v63  }
0x20: {  	s8 =	sshll.u32 @!p0 s10, $0xE  }
0x21: {  	s11 =	sshll.u32 @!p0 s21, $0x9;
	s8 =	sadd.s32 @!p0 s9, s8  }
0x22: {  	s12 =	simm.s32 @!p0 $0x9;
	s11 =	sand.u32 @!p0 $0x200, s11;
	s8 =	sand.u32 @!p0 $0x3FF8000, s8  }
0x23: {  	s17 =	simm.s32 @!p0 $0x400;
	_ =	swait.ge @!p0 [sflag:s12], $0x4000;
	s8 =	sor.u32 @!p0 s11, s8  }
0x24: {  	s0 =	simm.s32 @!p0 $0x8000;
	[sflag:s12] =	ssyncset.done @!p0 $0x0;
	s11 =	sshrl.u32 @!p0 s8, $0x3  }
0x25: {  	[sflag:s12] =	ssyncadd.s32 @!p0 $0xFFFFC000;
	s12 =	simm.s32 @!p0 $0x200;
	s11 =	sadd.s32 @!p0 s3, s11  }
0x26: {  	[tilespmem:s0], [sflag:$0x3] =	stream.strided.gather @!p0 [hbm4b:s11+s12], $0x4000, s17, s12, $0x38;
	[tilespmem:$0x18000] =	vst v63  }
0x27: {  	s0 =	sadd.s32 @!p0 $0x6000000, s8  }
0x28: {  	s0 =	sshrl.u32 @!p0 s0, $0x3  }
0x29: {  	s0 =	sadd.s32 @!p0 s1, s0  }
0x2a: {  	s0 =	smov.u32 @p0 s14  }
0x2b: {  	[tilespmem:s23], [sflag:$0x6] =	stream.strided.gather [hbm4b:s0+s18], $0x4000, s19, s18, $0x38;
	[tilespmem:$0x18000] =	vst v63  }
0x2c: {  	_ =	swait.ge [sflag:s24], $0x4000  }
0x2d: {  	[sflag:s24] =	ssyncset.done $0x0  }
0x2e: {  	[sflag:s24] =	ssyncadd.s32 $0xFFFFC000  }
0x2f: {  	s12 =	simm.s32 $0x0;
	_ =	swait.ge [sflag:s25], $0x4000  }
0x30: {  	s17 =	sand.u32 $0x3E00, s12;
	s0 =	sand.u32 $0x180, s12;
	[sflag:s25] =	ssyncset.done $0x0  }
0x31: {  	s17 =	sor.u32 s0, s17;
	[sflag:s25] =	ssyncadd.s32 $0xFFFFC000  }
0x32: {  	v7 =	vld [tilespmem:s17+$0x0]  }
0x33: {  	v6 =	vld [tilespmem:s17+$0x10]  }
0x34: {  	v5 =	vld [tilespmem:s17+$0x20]  }
0x35: {  	v4 =	vld [tilespmem:s17+$0x30]  }
0x36: {  	v3 =	vld [tilespmem:s17+$0x40]  }
0x37: {  	v2 =	vld [tilespmem:s17+$0x50]  }
0x38: {  	v1 =	vld [tilespmem:s17+$0x60]  }
0x39: {  	v0 =	vld [tilespmem:s17+$0x70]  }
0x3a: {  	v12 =	vld [tilespmem:s17+$0xC000]  }
0x3b: {  	v11 =	vld [tilespmem:s17+$0xC010]  }
0x3c: {  	v10 =	vld [tilespmem:s17+$0xC020]  }
0x3d: {  	v9 =	vld [tilespmem:s17+$0xC030]  }
0x3e: {  	v8 =	vld [tilespmem:s17+$0xC040]  }
0x3f: {  	s11 =	simm.s32 $0x200;
	s12 =	simm.s32 $0x4;
	v12 =	vadd.f32 v7, v12;
	v7 =	vld [tilespmem:s17+$0xC050]  }
.LBB2_3:
0x40: {  	s0 =	sand.u32 $0x3E00, s11;
	s8 =	sand.u32 $0x180, s12;
	p0 =	sne.s32 s12, $0x1FC;
	v6 =	vadd.f32 v6, v11;
	v11 =	vld [tilespmem:s17+$0xC060]  }
0x41: {  	s0 =	sor.u32 s8, s0;
	[tilespmem:s17+$0xC000] =	vst v12;
	v5 =	vadd.f32 v5, v10;
	v10 =	vld [tilespmem:s17+$0xC070]  }
0x42: {  	v12 =	vld [tilespmem:s0+$0x0];
	[tilespmem:s17+$0xC010] =	vst v6;
	v4 =	vadd.f32 v4, v9  }
0x43: {  	v6 =	vld [tilespmem:s0+$0x10];
	[tilespmem:s17+$0xC020] =	vst v5;
	v3 =	vadd.f32 v3, v8  }
0x44: {  	v5 =	vld [tilespmem:s0+$0x20];
	[tilespmem:s17+$0xC030] =	vst v4;
	v2 =	vadd.f32 v2, v7  }
0x45: {  	v4 =	vld [tilespmem:s0+$0x30];
	[tilespmem:s17+$0xC040] =	vst v3;
	v1 =	vadd.f32 v1, v11  }
0x46: {  	v3 =	vld [tilespmem:s0+$0x40];
	[tilespmem:s17+$0xC050] =	vst v2;
	v0 =	vadd.f32 v0, v10  }
0x47: {  	v2 =	vld [tilespmem:s0+$0x50];
	[tilespmem:s17+$0xC060] =	vst v1  }
0x48: {  	v1 =	vld [tilespmem:s0+$0x60];
	[tilespmem:s17+$0xC070] =	vst v0;
	s17 =	smov.u32 s0  }
0x49: {  	v0 =	vld [tilespmem:s17+$0x70]  }
0x4a: {  	v7 =	vld [tilespmem:s17+$0xC000]  }
.Ltmp0:
0x4b: {  	v11 =	vld [tilespmem:s17+$0xC010];
	(pc) =	sbr.rel @p0 .LBB2_3-.Ltmp0, $4  }
0x4c: {  	v10 =	vld [tilespmem:s17+$0xC020]  }
0x4d: {  	v9 =	vld [tilespmem:s17+$0xC030]  }
0x4e: {  	v8 =	vld [tilespmem:s17+$0xC040]  }
0x4f: {  	s11 =	sadd.s32 $0x200, s11;
	s12 =	sadd.s32 $0x4, s12;
	v12 =	vadd.f32 v12, v7;
	v7 =	vld [tilespmem:s17+$0xC050]  }
0x50: {  	v6 =	vadd.f32 v6, v11;
	v11 =	vld [tilespmem:s17+$0xC060]  }
0x51: {  	[tilespmem:s17+$0xC000] =	vst v12;
	v5 =	vadd.f32 v5, v10;
	v10 =	vld [tilespmem:s17+$0xC070]  }
0x52: {  	[tilespmem:s17+$0xC010] =	vst v6;
	v4 =	vadd.f32 v4, v9  }
0x53: {  	s12 =	smul.u32 $0xC, s21;
	[tilespmem:s17+$0xC020] =	vst v5;
	v3 =	vadd.f32 v3, v8  }
0x54: {  	[tilespmem:s17+$0xC030] =	vst v4;
	v2 =	vadd.f32 v2, v7  }
0x55: {  	s8 =	sshll.u32 s21, $0x6;
	s0 =	sadd.s32 s5, s12;
	[tilespmem:s17+$0xC040] =	vst v3;
	v1 =	vadd.f32 v1, v11  }
0x56: {  	s8 =	sand.u32 $0x40, s8;
	s0 =	sshll.u32 s0, $0x9;
	[tilespmem:s17+$0xC050] =	vst v2;
	v0 =	vadd.f32 v0, v10  }
0x57: {  	s16 =	sadd.s32 $0x3, s16;
	s11 =	sadd.s32 s7, s8;
	s0 =	sand.u32 $0x7FF000, s0;
	[tilespmem:s17+$0xC060] =	vst v1  }
0x58: {  	s0 =	sadd.s32 s0, s11;
	[tilespmem:s17+$0xC070] =	vst v0;
	s17 =	sshll.u32 s16, $0xE  }
0x59: {  	[hbm4b:s0+s18] =	stream.strided.scatter [tilespmem:s20], [sflag:$0x7], $0x4000, s19, s18, $0x38;
	[tilespmem:$0x18000] =	vst v63  }
0x5a: {  	s8 =	sadd.s32 s9, s17;
	s0 =	sshll.u32 s16, $0x9  }
0x5b: {  	s8 =	sand.u32 $0x3FF8000, s8;
	s0 =	sand.u32 $0x200, s0  }
0x5c: {  	s2 =	simm.s32 $0x0;
	_ =	swait.ge [sflag:s26], $0x4000;
	s0 =	sor.u32 s0, s8  }
0x5d: {  	[sflag:s26] =	ssyncset.done $0x0;
	s8 =	sshrl.u32 s0, $0x3;
	s0 =	sadd.s32 $0x6000000, s0  }
0x5e: {  	[sflag:s26] =	ssyncadd.s32 $0xFFFFC000;
	s8 =	sadd.s32 s3, s8;
	s0 =	sshrl.u32 s0, $0x3  }
0x5f: {  	[tilespmem:s2], [sflag:$0x1] =	stream.strided.gather [hbm4b:s8+s18], $0x4000, s19, s18, $0x38;
	[tilespmem:$0x18000] =	vst v63  }
0x60: {  	s0 =	sadd.s32 s1, s0  }
0x61: {  	[tilespmem:s20], [sflag:$0x4] =	stream.strided.gather [hbm4b:s0+s18], $0x4000, s19, s18, $0x38;
	[tilespmem:$0x18000] =	vst v63  }
0x62: {  	_ =	swait.ge [sflag:s28], $0x4000  }
0x63: {  	[sflag:s28] =	ssyncset.done $0x0  }
0x64: {  	[sflag:s28] =	ssyncadd.s32 $0xFFFFC000  }
0x65: {  	_ =	swait.ge [sflag:s29], $0x4000  }
0x66: {  	s17 =	sand.u32 $0x180, s2;
	s8 =	sand.u32 $0x3E00, s2;
	[sflag:s29] =	ssyncset.done $0x0  }
0x67: {  	s16 =	sor.u32 s17, s8;
	[sflag:s29] =	ssyncadd.s32 $0xFFFFC000  }
0x68: {  	v7 =	vld [tilespmem:s16+$0x4000]  }
0x69: {  	v6 =	vld [tilespmem:s16+$0x4010]  }
0x6a: {  	v5 =	vld [tilespmem:s16+$0x4020]  }
0x6b: {  	v4 =	vld [tilespmem:s16+$0x4030]  }
0x6c: {  	v3 =	vld [tilespmem:s16+$0x4040]  }
0x6d: {  	v2 =	vld [tilespmem:s16+$0x4050]  }
0x6e: {  	v1 =	vld [tilespmem:s16+$0x4060]  }
0x6f: {  	v0 =	vld [tilespmem:s16+$0x4070]  }
0x70: {  	v12 =	vld [tilespmem:s16+$0x10000]  }
0x71: {  	v11 =	vld [tilespmem:s16+$0x10010]  }
0x72: {  	v10 =	vld [tilespmem:s16+$0x10020]  }
0x73: {  	v9 =	vld [tilespmem:s16+$0x10030]  }
0x74: {  	v8 =	vld [tilespmem:s16+$0x10040]  }
0x75: {  	s17 =	simm.s32 $0x200;
	s8 =	simm.s32 $0x4;
	v12 =	vadd.f32 v7, v12;
	v7 =	vld [tilespmem:s16+$0x10050]  }
.LBB2_5:
0x76: {  	s0 =	sand.u32 $0x3E00, s17;
	s2 =	sand.u32 $0x180, s8;
	p0 =	sne.s32 s8, $0x1FC;
	v6 =	vadd.f32 v6, v11;
	v11 =	vld [tilespmem:s16+$0x10060]  }
0x77: {  	s0 =	sor.u32 s2, s0;
	[tilespmem:s16+$0x10000] =	vst v12;
	v5 =	vadd.f32 v5, v10;
	v10 =	vld [tilespmem:s16+$0x10070]  }
0x78: {  	v12 =	vld [tilespmem:s0+$0x4000];
	[tilespmem:s16+$0x10010] =	vst v6;
	v4 =	vadd.f32 v4, v9  }
0x79: {  	v6 =	vld [tilespmem:s0+$0x4010];
	[tilespmem:s16+$0x10020] =	vst v5;
	v3 =	vadd.f32 v3, v8  }
0x7a: {  	v5 =	vld [tilespmem:s0+$0x4020];
	[tilespmem:s16+$0x10030] =	vst v4;
	v2 =	vadd.f32 v2, v7  }
0x7b: {  	v4 =	vld [tilespmem:s0+$0x4030];
	[tilespmem:s16+$0x10040] =	vst v3;
	v1 =	vadd.f32 v1, v11  }
0x7c: {  	v3 =	vld [tilespmem:s0+$0x4040];
	[tilespmem:s16+$0x10050] =	vst v2;
	v0 =	vadd.f32 v0, v10  }
0x7d: {  	v2 =	vld [tilespmem:s0+$0x4050];
	[tilespmem:s16+$0x10060] =	vst v1  }
0x7e: {  	v1 =	vld [tilespmem:s0+$0x4060];
	[tilespmem:s16+$0x10070] =	vst v0;
	s16 =	smov.u32 s0  }
0x7f: {  	v0 =	vld [tilespmem:s16+$0x4070]  }
0x80: {  	v7 =	vld [tilespmem:s16+$0x10000]  }
.Ltmp1:
0x81: {  	v11 =	vld [tilespmem:s16+$0x10010];
	(pc) =	sbr.rel @p0 .LBB2_5-.Ltmp1, $4  }
0x82: {  	v10 =	vld [tilespmem:s16+$0x10020]  }
0x83: {  	v9 =	vld [tilespmem:s16+$0x10030]  }
0x84: {  	v8 =	vld [tilespmem:s16+$0x10040]  }
0x85: {  	s17 =	sadd.s32 $0x200, s17;
	s8 =	sadd.s32 $0x4, s8;
	v12 =	vadd.f32 v12, v7;
	v7 =	vld [tilespmem:s16+$0x10050]  }
0x86: {  	v6 =	vadd.f32 v6, v11;
	v11 =	vld [tilespmem:s16+$0x10060]  }
0x87: {  	[tilespmem:s16+$0x10000] =	vst v12;
	v5 =	vadd.f32 v5, v10;
	v10 =	vld [tilespmem:s16+$0x10070]  }
0x88: {  	[tilespmem:s16+$0x10010] =	vst v6;
	v4 =	vadd.f32 v4, v9  }
0x89: {  	[tilespmem:s16+$0x10020] =	vst v5;
	v3 =	vadd.f32 v3, v8  }
0x8a: {  	s0 =	sadd.s32 $0x4, s12;
	[tilespmem:s16+$0x10030] =	vst v4;
	v2 =	vadd.f32 v2, v7  }
0x8b: {  	s2 =	sadd.s32 s5, s0;
	s0 =	sshll.u32 s0, $0x4;
	[tilespmem:s16+$0x10040] =	vst v3;
	v1 =	vadd.f32 v1, v11  }
0x8c: {  	s2 =	sshll.u32 s2, $0x9;
	s0 =	sand.u32 $0x40, s0;
	[tilespmem:s16+$0x10050] =	vst v2;
	v0 =	vadd.f32 v0, v10  }
0x8d: {  	s2 =	sand.u32 $0x7FF000, s2;
	s0 =	sadd.s32 s7, s0;
	[tilespmem:s16+$0x10060] =	vst v1  }
0x8e: {  	p0 =	seq.s32 s21, $0x14;
	s0 =	sadd.s32 s2, s0;
	[tilespmem:s16+$0x10070] =	vst v0  }
0x8f: {  	[hbm4b:s0+s18] =	stream.strided.scatter [tilespmem:s22], [sflag:$0x8], $0x4000, s19, s18, $0x38;
	[tilespmem:$0x18000] =	vst v63  }
0x90: {  	s2 =	sshll.u32 @!p0 s21, $0x9;
	s0 =	sadd.s32 @!p0 s12, s15  }
0x91: {  	s8 =	simm.s32 @!p0 $0x8;
	s2 =	sand.u32 @!p0 $0x200, s2;
	s0 =	sshll.u32 @!p0 s0, $0xC  }
0x92: {  	s16 =	simm.s32 @!p0 $0x4000;
	_ =	swait.ge @!p0 [sflag:s8], $0x4000;
	s0 =	sand.u32 @!p0 $0x3FF8000, s0  }
0x93: {  	s12 =	simm.s32 @!p0 $0x400;
	[sflag:s8] =	ssyncset.done @!p0 $0x0;
	s0 =	sor.u32 @!p0 s2, s0  }
0x94: {  	[sflag:s8] =	ssyncadd.s32 @!p0 $0xFFFFC000;
	s2 =	sshrl.u32 @!p0 s0, $0x3;
	s0 =	sadd.s32 @!p0 $0x6000000, s0  }
0x95: {  	s8 =	simm.s32 @!p0 $0x200;
	s2 =	sadd.s32 @!p0 s3, s2;
	s0 =	sshrl.u32 @!p0 s0, $0x3  }
0x96: {  	[tilespmem:s16], [sflag:$0x2] =	stream.strided.gather @!p0 [hbm4b:s2+s8], $0x4000, s12, s8, $0x38;
	[tilespmem:$0x18000] =	vst v63  }
0x97: {  	s0 =	sadd.s32 @!p0 s1, s0;
	s2 =	simm.s32 @!p0 $0x10000  }
0x98: {  	[tilespmem:s2], [sflag:$0x5] =	stream.strided.gather @!p0 [hbm4b:s0+s8], $0x4000, s12, s8, $0x38;
	[tilespmem:$0x18000] =	vst v63  }
0x99: {  	_ =	swait.ge [sflag:s30], $0x4000  }
0x9a: {  	[sflag:s30] =	ssyncset.done $0x0  }
0x9b: {  	[sflag:s30] =	ssyncadd.s32 $0xFFFFC000  }
0x9c: {  	s16 =	simm.s32 $0x0;
	_ =	swait.ge [sflag:s31], $0x4000  }
0x9d: {  	s17 =	sand.u32 $0x3E00, s16;
	s0 =	sand.u32 $0x180, s16;
	[sflag:s31] =	ssyncset.done $0x0  }
0x9e: {  	s12 =	sor.u32 s0, s17;
	[sflag:s31] =	ssyncadd.s32 $0xFFFFC000  }
0x9f: {  	v7 =	vld [tilespmem:s12+$0x8000]  }
0xa0: {  	v6 =	vld [tilespmem:s12+$0x8010]  }
0xa1: {  	v5 =	vld [tilespmem:s12+$0x8020]  }
0xa2: {  	v4 =	vld [tilespmem:s12+$0x8030]  }
0xa3: {  	v3 =	vld [tilespmem:s12+$0x8040]  }
0xa4: {  	v2 =	vld [tilespmem:s12+$0x8050]  }
0xa5: {  	v1 =	vld [tilespmem:s12+$0x8060]  }
0xa6: {  	v0 =	vld [tilespmem:s12+$0x8070]  }
0xa7: {  	v12 =	vld [tilespmem:s12+$0x14000]  }
0xa8: {  	v11 =	vld [tilespmem:s12+$0x14010]  }
0xa9: {  	v10 =	vld [tilespmem:s12+$0x14020]  }
0xaa: {  	v9 =	vld [tilespmem:s12+$0x14030]  }
0xab: {  	v8 =	vld [tilespmem:s12+$0x14040]  }
0xac: {  	s16 =	simm.s32 $0x200;
	s8 =	simm.s32 $0x4;
	v12 =	vadd.f32 v7, v12;
	v7 =	vld [tilespmem:s12+$0x14050]  }
.LBB2_7:
0xad: {  	s0 =	sand.u32 $0x3E00, s16;
	s2 =	sand.u32 $0x180, s8;
	p0 =	sne.s32 s8, $0x1FC;
	v6 =	vadd.f32 v6, v11;
	v11 =	vld [tilespmem:s12+$0x14060]  }
0xae: {  	s0 =	sor.u32 s2, s0;
	[tilespmem:s12+$0x14000] =	vst v12;
	v5 =	vadd.f32 v5, v10;
	v10 =	vld [tilespmem:s12+$0x14070]  }
0xaf: {  	v12 =	vld [tilespmem:s0+$0x8000];
	[tilespmem:s12+$0x14010] =	vst v6;
	v4 =	vadd.f32 v4, v9  }
0xb0: {  	v6 =	vld [tilespmem:s0+$0x8010];
	[tilespmem:s12+$0x14020] =	vst v5;
	v3 =	vadd.f32 v3, v8  }
0xb1: {  	v5 =	vld [tilespmem:s0+$0x8020];
	[tilespmem:s12+$0x14030] =	vst v4;
	v2 =	vadd.f32 v2, v7  }
0xb2: {  	v4 =	vld [tilespmem:s0+$0x8030];
	[tilespmem:s12+$0x14040] =	vst v3;
	v1 =	vadd.f32 v1, v11  }
0xb3: {  	v3 =	vld [tilespmem:s0+$0x8040];
	[tilespmem:s12+$0x14050] =	vst v2;
	v0 =	vadd.f32 v0, v10  }
0xb4: {  	v2 =	vld [tilespmem:s0+$0x8050];
	[tilespmem:s12+$0x14060] =	vst v1  }
0xb5: {  	v1 =	vld [tilespmem:s0+$0x8060];
	[tilespmem:s12+$0x14070] =	vst v0;
	s12 =	smov.u32 s0  }
0xb6: {  	v0 =	vld [tilespmem:s12+$0x8070]  }
0xb7: {  	v7 =	vld [tilespmem:s12+$0x14000]  }
.Ltmp2:
0xb8: {  	v11 =	vld [tilespmem:s12+$0x14010];
	(pc) =	sbr.rel @p0 .LBB2_7-.Ltmp2, $4  }
0xb9: {  	v10 =	vld [tilespmem:s12+$0x14020]  }
0xba: {  	v9 =	vld [tilespmem:s12+$0x14030]  }
0xbb: {  	v8 =	vld [tilespmem:s12+$0x14040]  }
0xbc: {  	s16 =	sadd.s32 $0x200, s16;
	s8 =	sadd.s32 $0x4, s8;
	v12 =	vadd.f32 v12, v7;
	v7 =	vld [tilespmem:s12+$0x14050]  }
0xbd: {  	v6 =	vadd.f32 v6, v11;
	v62 =	vld [tilespmem:s12+$0x14060]  }
0xbe: {  	v63 =	vld [tilespmem:s12+$0x14070];
	[tilespmem:s12+$0x14000] =	vst v12;
	v5 =	vadd.f32 v5, v10  }
0xbf: {  	[tilespmem:s12+$0x14010] =	vst v6;
	v4 =	vadd.f32 v4, v9  }
0xc0: {  	s21 =	sadd.s32 $0x1, s21;
	[tilespmem:s12+$0x14020] =	vst v5;
	v3 =	vadd.f32 v3, v8  }
0xc1: {  	p0 =	sne.s32 s21, $0x15;
	[tilespmem:s12+$0x14030] =	vst v4;
	v2 =	vadd.f32 v2, v7  }
.Ltmp3:
0xc2: {  	s0 =	sshll.u32 s10, $0xB;
	[tilespmem:s12+$0x14040] =	vst v3;
	v1 =	vadd.f32 v1, v62;
	(pc) =	sbr.rel @p0 .LBB2_2-.Ltmp3, $4  }
0xc3: {  	s0 =	sadd.s32 s6, s0;
	v0 =	vadd.f32 v0, v63;
	[tilespmem:s12+$0x14050] =	vst v2  }
0xc4: {  	s0 =	sand.u32 $0x7FF000, s0;
	[tilespmem:s12+$0x14060] =	vst v1  }
0xc5: {  	s0 =	sadd.s32 s0, s11;
	[tilespmem:s12+$0x14070] =	vst v0  }
0xc6: {  	[hbm4b:s0+s18] =	stream.strided.scatter [tilespmem:s23], [sflag:$0x9], $0x4000, s19, s18, $0x38;
	[tilespmem:$0x18000] =	vst v63  }
0xc7: {  	_ =	swait.ge [sflag:s24], $0x4000  }
0xc8: {  	[sflag:s24] =	ssyncset.done $0x0  }
0xc9: {  	[sflag:s24] =	ssyncadd.s32 $0xFFFFC000  }
0xca: {  	s0 =	simm.s32 $0x0;
	_ =	swait.ge [sflag:s25], $0x4000  }
0xcb: {  	s2 =	sand.u32 $0x3E00, s0;
	s0 =	sand.u32 $0x180, s0;
	[sflag:s25] =	ssyncset.done $0x0  }
0xcc: {  	s10 =	sor.u32 s0, s2;
	[sflag:s25] =	ssyncadd.s32 $0xFFFFC000  }
0xcd: {  	v7 =	vld [tilespmem:s10+$0x0]  }
0xce: {  	v6 =	vld [tilespmem:s10+$0x10]  }
0xcf: {  	v5 =	vld [tilespmem:s10+$0x20]  }
0xd0: {  	v4 =	vld [tilespmem:s10+$0x30]  }
0xd1: {  	v3 =	vld [tilespmem:s10+$0x40]  }
0xd2: {  	v2 =	vld [tilespmem:s10+$0x50]  }
0xd3: {  	v1 =	vld [tilespmem:s10+$0x60]  }
0xd4: {  	v0 =	vld [tilespmem:s10+$0x70]  }
0xd5: {  	v12 =	vld [tilespmem:s10+$0xC000]  }
0xd6: {  	v11 =	vld [tilespmem:s10+$0xC010]  }
0xd7: {  	v10 =	vld [tilespmem:s10+$0xC020]  }
0xd8: {  	v9 =	vld [tilespmem:s10+$0xC030]  }
0xd9: {  	v8 =	vld [tilespmem:s10+$0xC040]  }
0xda: {  	s11 =	simm.s32 $0x200;
	s8 =	simm.s32 $0x4;
	v12 =	vadd.f32 v7, v12;
	v7 =	vld [tilespmem:s10+$0xC050]  }
.LBB2_10:
0xdb: {  	s0 =	sand.u32 $0x3E00, s11;
	s2 =	sand.u32 $0x180, s8;
	p0 =	sne.s32 s8, $0x1FC;
	v6 =	vadd.f32 v6, v11;
	v11 =	vld [tilespmem:s10+$0xC060]  }
0xdc: {  	s0 =	sor.u32 s2, s0;
	[tilespmem:s10+$0xC000] =	vst v12;
	v5 =	vadd.f32 v5, v10;
	v10 =	vld [tilespmem:s10+$0xC070]  }
0xdd: {  	v12 =	vld [tilespmem:s0+$0x0];
	[tilespmem:s10+$0xC010] =	vst v6;
	v4 =	vadd.f32 v4, v9  }
0xde: {  	v6 =	vld [tilespmem:s0+$0x10];
	[tilespmem:s10+$0xC020] =	vst v5;
	v3 =	vadd.f32 v3, v8  }
0xdf: {  	v5 =	vld [tilespmem:s0+$0x20];
	[tilespmem:s10+$0xC030] =	vst v4;
	v2 =	vadd.f32 v2, v7  }
0xe0: {  	v4 =	vld [tilespmem:s0+$0x30];
	[tilespmem:s10+$0xC040] =	vst v3;
	v1 =	vadd.f32 v1, v11  }
0xe1: {  	v3 =	vld [tilespmem:s0+$0x40];
	[tilespmem:s10+$0xC050] =	vst v2;
	v0 =	vadd.f32 v0, v10  }
0xe2: {  	v2 =	vld [tilespmem:s0+$0x50];
	[tilespmem:s10+$0xC060] =	vst v1  }
0xe3: {  	v1 =	vld [tilespmem:s0+$0x60];
	[tilespmem:s10+$0xC070] =	vst v0;
	s10 =	smov.u32 s0  }
0xe4: {  	v0 =	vld [tilespmem:s10+$0x70]  }
0xe5: {  	v7 =	vld [tilespmem:s10+$0xC000]  }
.Ltmp4:
0xe6: {  	v11 =	vld [tilespmem:s10+$0xC010];
	(pc) =	sbr.rel @p0 .LBB2_10-.Ltmp4, $4  }
0xe7: {  	v10 =	vld [tilespmem:s10+$0xC020]  }
0xe8: {  	v9 =	vld [tilespmem:s10+$0xC030]  }
0xe9: {  	v8 =	vld [tilespmem:s10+$0xC040]  }
0xea: {  	s11 =	sadd.s32 $0x200, s11;
	s8 =	sadd.s32 $0x4, s8;
	v12 =	vadd.f32 v12, v7;
	v7 =	vld [tilespmem:s10+$0xC050]  }
0xeb: {  	v6 =	vadd.f32 v6, v11;
	v62 =	vld [tilespmem:s10+$0xC060]  }
0xec: {  	v63 =	vld [tilespmem:s10+$0xC070];
	[tilespmem:s10+$0xC000] =	vst v12;
	v5 =	vadd.f32 v5, v10  }
0xed: {  	[tilespmem:s10+$0xC010] =	vst v6;
	v4 =	vadd.f32 v4, v9  }
0xee: {  	[tilespmem:s10+$0xC020] =	vst v5;
	v3 =	vadd.f32 v3, v8  }
0xef: {  	[tilespmem:s10+$0xC030] =	vst v4;
	v2 =	vadd.f32 v2, v7  }
0xf0: {  	[tilespmem:s10+$0xC040] =	vst v3;
	v1 =	vadd.f32 v1, v62  }
0xf1: {  	v0 =	vadd.f32 v0, v63;
	[tilespmem:s10+$0xC050] =	vst v2  }
0xf2: {  	[tilespmem:s10+$0xC060] =	vst v1  }
0xf3: {  	s0 =	rddreg [dreg:$0x8];
	s16 =	simm.s32 $0x8;
	[tilespmem:s10+$0xC070] =	vst v0  }
0xf4: {  	[hbm4b:s0+s18] =	stream.strided.scatter [tilespmem:s20], [sflag:$0x7], $0x4000, s19, s18, $0x38;
	[tilespmem:$0x18000] =	vst v63  }
0xf5: {  	_ =	swait.ge [sflag:s16], $0x4000  }
0xf6: {  	[sflag:s16] =	ssyncset.done $0x0  }
0xf7: {  	s17 =	simm.s32 $0x9;
	[sflag:s16] =	ssyncadd.s32 $0xFFFFC000  }
0xf8: {  	_ =	swait.ge [sflag:s17], $0x4000  }
0xf9: {  	[sflag:s17] =	ssyncset.done $0x0  }
0xfa: {  	[sflag:s17] =	ssyncadd.s32 $0xFFFFC000  }
0xfb: {  	_ =	swait.ge [sflag:s26], $0x4000  }
0xfc: {  	s4 =	sadd.s32 $0x1, s4;
	s21 =	rddreg [dreg:$0x9]  }
0xfd: {  	p0 =	sne.s32 s4, s21  }
.Ltmp5:
0xfe: {  	_ = 	snop;
	(pc) =	sbr.rel @p0 .LBB2_1-.Ltmp5, $3  }
0xff: {  	_ =	sdelay $0x1  }
0x100: {  	[sflag:s26] =	ssyncset.done $0x0  }
0x101: {  	[sflag:s26] =	ssyncadd.s32 $0xFFFFC000  }
0x102: {  	_ =	sfence.sel $0x180000  }
0x103: {  	[bflag:$0x0] =	sbarrier.arrive $0xFFFF  }
0x104: {  	_ =	strace $0x90000047  }
0x105: {  	s0 =	stileid.u32;
	[bflag:$0x2] =	sbarrier.arrive $0xFFFF  }
0x106: {  	p0 =	sne.s32 s0, $0x0;
	s0 =	rddreg [dreg:$0x3]  }
0x107: {  	s0 =	sadd.s32 @!p0 $0x100000, s0  }
0x108: {  	[sflag:s0] =	ssyncadd.tile.s32 @!p0 $0x1;
	_ =	shalt  }
.Lfunc_end2:
_tile_overlayer_lowered:
.L_overlay_start_2:
0x109: {  	(tag) =	ssettag $0x2  }
0x10a: {  	s0 =	rddreg [dreg:$0x0];
	s2 =	stileid.u32  }
0x10b: {  	s1 =	rddreg [dreg:$0x1];
	p0 =	sne.s32 s2, $0x0  }
0x10c: {  	s3 =	rddreg [dreg:$0x2];
	[bflag:$0x3] =	sbarrier.arrive $0xFFFF;
	s2 =	simm.s32 @!p0 $0x1C0A  }
0x10d: {  	[timem:s3], [sflag:s2] =	dma.local @!p0 [hbm:s0], s1  }
0x10e: {  	s0 =	simm.s32 @!p0 $0xA  }
0x10f: {  	_ =	swait.ge @!p0 [sflag:s0], s1  }
0x110: {  	s1 =	ssub.s32 @!p0 $0x0, s1;
	[sflag:s0] =	ssyncset.done @!p0 $0x0  }
0x111: {  	[sflag:s0] =	ssyncadd.s32 @!p0 s1  }
0x112: {  	[bflag:$0x3] =	sbarrier.arrive $0xFFFF  }
0x113: {  	_ =	shalt  }

</sc_bundles>
